<compile_context>
chip_gen: v7x
topology: tpu7x:2x2x1
jax: 0.10.2.dev20260603
libtpu: 0.0.44.dev20260713+nightly
codegen_flags: <defaults>
</compile_context>

<pallas_src>
import functools

import jax
import jax.numpy as jnp
from jax import lax
from jax.experimental import pallas as pl
from jax.experimental.pallas import tpu as pltpu
from jax.experimental.pallas import tpu_sc as plsc

L = 512
TOPK = 64
D_PAIR = 128
D_MSA = 256
D_STATE = 16
L0_IN = 32
L0_OUT = 16
D_EDGE = 32
H = 64
E = L * TOPK

F32 = jnp.float32
HIGH = lax.Precision.HIGHEST


def _ln(x, g, b, eps=1e-5):
    mu = jnp.mean(x, axis=-1, keepdims=True)
    var = jnp.mean((x - mu) ** 2, axis=-1, keepdims=True)
    return (x - mu) / jnp.sqrt(var + eps) * g + b


def _dot(a, b):
    return jax.lax.dot_general(a, b, (((1,), (0,)), ((), ())),
                               precision=HIGH, preferred_element_type=F32)


def _dotd(a, b):
    return jax.lax.dot_general(a, b, (((1,), (0,)), ((), ())),
                               precision=lax.Precision.DEFAULT,
                               preferred_element_type=F32)


def _dot2(a, b, dims=(((1,), (0,)), ((), ()))):
    hi = b.astype(jnp.bfloat16).astype(F32)
    lo = b - hi
    d = lambda x, y: jax.lax.dot_general(
        x, y, dims, precision=lax.Precision.DEFAULT,
        preferred_element_type=F32)
    return d(a, hi) + d(a, lo)


def _prep_body(msa0_ref, st_ref, ca_ref, caT_ref, idxc_ref, idxr_ref,
               nm_g, nm_b, ns_g, ns_b, wxa, wxb, bx, nn_g, nn_b,
               node_ref, nbr_ref, nbrf_ref, mask_scr, pos_scr):
    nodem = _ln(msa0_ref[...], nm_g[...], nm_b[...])
    st = _ln(st_ref[...], ns_g[...], ns_b[...])
    x = _dotd(nodem, wxa[...]) + _dotd(st, wxb[...]) + bx[...]
    node_ref[...] = _ln(x, nn_g[...], nn_b[...])

    ca = ca_ref[...]
    caT = caT_ref[...]
    d2 = (ca[:, 0:1] - caT[0:1, :]) ** 2
    d2 = d2 + (ca[:, 1:2] - caT[1:2, :]) ** 2
    d2 = d2 + (ca[:, 2:3] - caT[2:3, :]) ** 2
    dist = jnp.sqrt(d2 + 1e-12)

    ii = lax.broadcasted_iota(jnp.int32, (L, L), 0)
    jj = lax.broadcasted_iota(jnp.int32, (L, L), 1)
    eye = (ii == jj).astype(F32) * 999.9
    sep = jnp.abs(idxc_ref[...] - idxr_ref[...]) + eye
    dg = (dist + eye) + sep * 1e-6

    bits = lax.bitcast_convert_type(dg, jnp.int32)
    lo0 = jnp.zeros((L, 1), jnp.int32)
    hi0 = jnp.full((L, 1), 0x7F800000, jnp.int32)

    def bs_body(_, carry):
        lo, hi = carry
        mid = lo + lax.shift_right_logical(hi - lo, 1)
        cnt = jnp.sum((bits <= mid).astype(jnp.int32), axis=1, keepdims=True)
        ge = cnt >= TOPK
        return jnp.where(ge, lo, mid + 1), jnp.where(ge, mid, hi)

    _, mstar = lax.fori_loop(0, 31, bs_body, (lo0, hi0))

    lt = bits < mstar
    a = jnp.sum(lt.astype(jnp.int32), axis=1, keepdims=True)
    ties = (bits == mstar)
    tri = (ii <= jj).astype(F32)
    tie_cum = _dotd(ties.astype(F32), tri)
    need = (TOPK - a).astype(F32)
    mask = lt | (ties & (tie_cum <= need))
    pos = _dotd(mask.astype(F32), tri) - 1.0
    mask_scr[...] = mask.astype(jnp.int32)
    pos_scr[...] = pos.astype(jnp.int32)

    def comp_body(t, _):
        i0 = pl.multiple_of(t * 8, 8)
        mb = mask_scr[pl.ds(i0, 8), :]
        pb = pos_scr[pl.ds(i0, 8), :]
        r_iota = lax.broadcasted_iota(jnp.int32, (8, L, TOPK), 2)
        j_iota = lax.broadcasted_iota(jnp.int32, (8, L, TOPK), 1)
        sel = (pb[:, :, None] == r_iota) & (mb[:, :, None] > 0)
        nbrb = jnp.sum(jnp.where(sel, j_iota, 0), axis=1)
        nbr_ref[pl.ds(i0, 8), :] = nbrb
        row = i0 + lax.broadcasted_iota(jnp.int32, (8, TOPK), 0)
        nbrf_ref[pl.ds(i0, 8), :] = nbrb + row * L
        return 0

    lax.fori_loop(0, L // 8, comp_body, 0)


def _run_prep(msa0, st, ca, caT, idxc, idxr, p):
    return pl.pallas_call(
        _prep_body,
        out_shape=(
            jax.ShapeDtypeStruct((L, L0_IN), F32),
            jax.ShapeDtypeStruct((L, TOPK), jnp.int32),
            jax.ShapeDtypeStruct((L, TOPK), jnp.int32),
        ),
        scratch_shapes=[
            pltpu.VMEM((L, L), jnp.int32),
            pltpu.VMEM((L, L), jnp.int32),
        ],
    )(msa0, st, ca, caT, idxc, idxr,
      p["nm_g"].reshape(1, -1), p["nm_b"].reshape(1, -1),
      p["ns_g"].reshape(1, -1), p["ns_b"].reshape(1, -1),
      p["Wx"][:, :D_MSA].T, p["Wx"][:, D_MSA:].T, p["bx"].reshape(1, -1),
      p["nn_g"].reshape(1, -1), p["nn_b"].reshape(1, -1))


_NC, _NS = 2, 16
_NW = _NC * _NS
_EPW = E // _NW
_CH = 256


def _sc_gather(table, idx_flat):
    mesh = plsc.VectorSubcoreMesh(core_axis_name="c", subcore_axis_name="s")

    @functools.partial(
        pl.kernel, mesh=mesh,
        out_type=jax.ShapeDtypeStruct((E, D_PAIR), F32),
        scratch_types=[
            pltpu.VMEM((_CH,), jnp.int32),
            pltpu.VMEM((_CH, D_PAIR), F32),
            pltpu.SemaphoreType.DMA,
        ],
    )
    def k(table_hbm, idx_hbm, out_hbm, idx_v, rows_v, sem):
        wid = lax.axis_index("s") * _NC + lax.axis_index("c")
        base = wid * _EPW
        for c in range(_EPW // _CH):
            off = base + c * _CH
            pltpu.sync_copy(idx_hbm.at[pl.ds(off, _CH)], idx_v)
            pltpu.async_copy(table_hbm.at[idx_v], rows_v, sem).wait()
            pltpu.sync_copy(rows_v, out_hbm.at[pl.ds(off, _CH)])

    return k(table, idx_flat)


_EB = 4096
_RB = _EB // TOPK
_NSTEP = E // _EB


def _edge_body(praw_ref, nbrb_ref, node_all_ref, caidx_all_ref,
               nsrc_ref, caidxsrc_ref,
               np_g, np_b, we1T, be1, ne1_g, ne1_b,
               we2aT, we2bT, we2c, be2, ne2_g, ne2_b,
               w1s, w1d, w1e, b1, w0v, mu,
               acc_ref):
    i = pl.program_id(0)

    e0 = _ln(praw_ref[...], np_g[...], np_b[...])
    e1 = _ln(_dotd(e0, we1T[...]) + be1[...], ne1_g[...], ne1_b[...])

    nbrb = nbrb_ref[...]
    jj = lax.broadcasted_iota(jnp.int32, (_RB, TOPK, L), 2)
    oh = (nbrb[:, :, None] == jj).astype(F32).reshape(_EB, L)

    ndst = _dotd(oh, node_all_ref[...])
    caidxdst = _dot2(oh, caidx_all_ref[...])
    cadst = caidxdst[:, 0:3]
    idxdst = caidxdst[:, 3:4]

    nsrc = jnp.broadcast_to(nsrc_ref[...][:, None, :],
                            (_RB, TOPK, L0_IN)).reshape(_EB, L0_IN)
    caidxsrc = jnp.broadcast_to(caidxsrc_ref[...][:, None, :],
                                (_RB, TOPK, 4)).reshape(_EB, 4)

    rel = caidxsrc[:, 0:3] - cadst
    d2 = jnp.sum(rel * rel, axis=1, keepdims=True)
    de = jnp.sqrt(d2 + 1e-12)
    sig = (22.0 - 2.0) / 36.0
    rbf = jnp.exp(-(((de - mu[...]) / sig) ** 2))

    dseq = idxdst - caidxsrc[:, 3:4]
    av = jnp.abs(dseq)
    ss = jnp.sign(dseq) * jnp.where(av > 1, 0.0, av)

    e2 = _ln(_dotd(e1, we2aT[...]) + _dotd(rbf, we2bT[...]) + ss * we2c[...]
             + be2[...], ne2_g[...], ne2_b[...])

    m = jax.nn.relu(_dotd(nsrc, w1s[...]) + _dotd(ndst, w1d[...])
                    + _dotd(e2, w1e[...]) + b1[...])

    ov = _dotd(m, w0v[...])
    vw = ov[:, L0_OUT:]
    vals = jnp.concatenate(
        [ov[:, :L0_OUT], vw[:, 0:1] * rel, vw[:, 1:2] * rel], axis=1)

    contrib = _dot2(oh, vals, (((0,), (0,)), ((), ())))

    @pl.when(i == 0)
    def _():
        acc_ref[...] = contrib

    @pl.when(i > 0)
    def _():
        acc_ref[...] += contrib


def _run_edges(praw, nbr, node, caidx, p):
    full = lambda s: pl.BlockSpec(s, lambda i: (0, 0))
    blk = lambda s: pl.BlockSpec(s, lambda i: (i, 0))
    return pl.pallas_call(
        _edge_body,
        grid=(_NSTEP,),
        in_specs=[
            blk((_EB, D_PAIR)),
            blk((_RB, TOPK)),
            full((L, L0_IN)),
            full((L, 4)),
            blk((_RB, L0_IN)),
            blk((_RB, 4)),
        ] + [full(tuple(s)) for s in [
            (1, D_PAIR), (1, D_PAIR),
            (D_PAIR, D_EDGE), (1, D_EDGE),
            (1, D_EDGE), (1, D_EDGE),
            (D_EDGE, D_EDGE), (36, D_EDGE), (1, D_EDGE), (1, D_EDGE),
            (1, D_EDGE), (1, D_EDGE),
            (L0_IN, H), (L0_IN, H), (D_EDGE, H), (1, H),
            (H, L0_OUT + 2), (1, 36),
        ]],
        out_specs=full((L, L0_OUT + 6)),
        out_shape=jax.ShapeDtypeStruct((L, L0_OUT + 6), F32),
    )(praw, nbr, node, caidx, node, caidx,
      p["np_g"].reshape(1, -1), p["np_b"].reshape(1, -1),
      p["We1"].T, p["be1"].reshape(1, -1),
      p["ne1_g"].reshape(1, -1), p["ne1_b"].reshape(1, -1),
      p["We2"][:, :D_EDGE].T, p["We2"][:, D_EDGE:D_EDGE + 36].T,
      p["We2"][:, D_EDGE + 36:].T.astype(jnp.bfloat16).astype(F32),
      p["be2"].reshape(1, -1),
      p["ne2_g"].reshape(1, -1), p["ne2_b"].reshape(1, -1),
      p["se3_W1"][:L0_IN], p["se3_W1"][L0_IN:2 * L0_IN], p["se3_W1"][2 * L0_IN:],
      p["se3_b1"].reshape(1, -1),
      jnp.concatenate([p["se3_W0"], p["se3_Wv"]], axis=1),
      jnp.linspace(2.0, 22.0, 36).astype(F32).reshape(1, 36))


def _final_body(so_ref, vec6_ref, xyz9_ref, rin_ref, tin_ref, motif_ref,
                msa0_ref, wl1_ref,
                n0_g, n0_b, ni_g, ni_b, ws0T, bs0, wsiT, bsi,
                w1T, b1, w2T, b2, w3T, b3, w4T, b4, woT, bo,
                ri_ref, ti_ref, so_out_ref, alpha_ref):
    so = so_ref[...]
    vec6 = vec6_ref[...]
    xyz9 = xyz9_ref[...]

    cols = []
    for k in range(2):
        for d in range(3):
            acc = jnp.zeros((L, 1), F32)
            for a_ in range(3):
                l1 = xyz9_ref[:, 3 * a_ + d:3 * a_ + d + 1] - \
                     xyz9_ref[:, 3 + d:4 + d]
                acc = acc + l1 * wl1_ref[0:1, 3 * k + a_:3 * k + a_ + 1]
            cols.append(acc)
    vec = vec6 + jnp.concatenate(cols, axis=1)
    vec = jnp.where(motif_ref[...] > 0, 0.0, vec)

    delT = vec[:, 0:3] / 10.0
    rv0 = vec[:, 3:4] / 100.0
    rv1 = vec[:, 4:5] / 100.0
    rv2 = vec[:, 5:6] / 100.0
    qn = jnp.sqrt(1.0 + rv0 * rv0 + rv1 * rv1 + rv2 * rv2)
    qa = 1.0 / qn
    qb, qc, qd = rv0 / qn, rv1 / qn, rv2 / qn
    dr = [qa * qa + qb * qb - qc * qc - qd * qd, 2 * qb * qc - 2 * qa * qd,
          2 * qb * qd + 2 * qa * qc,
          2 * qb * qc + 2 * qa * qd, qa * qa - qb * qb + qc * qc - qd * qd,
          2 * qc * qd - 2 * qa * qb,
          2 * qb * qd - 2 * qa * qc, 2 * qc * qd + 2 * qa * qb,
          qa * qa - qb * qb - qc * qc + qd * qd]
    ri_cols = []
    for i in range(3):
        for k in range(3):
            acc = jnp.zeros((L, 1), F32)
            for j in range(3):
                acc = acc + dr[3 * i + j] * rin_ref[:, 3 * j + k:3 * j + k + 1]
            ri_cols.append(acc)
    ri_ref[...] = jnp.concatenate(ri_cols, axis=1)
    ti_ref[...] = delT + tin_ref[...]
    so_out_ref[...] = so

    seq = _ln(msa0_ref[...], n0_g[...], n0_b[...])
    sst = _ln(so, ni_g[...], ni_b[...])
    si = _dotd(seq, ws0T[...]) + bs0[...] + _dotd(sst, wsiT[...]) + bsi[...]
    h = _dotd(jax.nn.relu(si), w1T[...]) + b1[...]
    si = si + _dotd(jax.nn.relu(h), w2T[...]) + b2[...]
    h = _dotd(jax.nn.relu(si), w3T[...]) + b3[...]
    si = si + _dotd(jax.nn.relu(h), w4T[...]) + b4[...]
    alpha_ref[...] = _dotd(jax.nn.relu(si), woT[...]) + bo[...]


def _run_final(so, vec6, xyz9, rin9, tin, motif, msa0, p):
    return pl.pallas_call(
        _final_body,
        out_shape=(
            jax.ShapeDtypeStruct((L, 9), F32),
            jax.ShapeDtypeStruct((L, 3), F32),
            jax.ShapeDtypeStruct((L, L0_OUT), F32),
            jax.ShapeDtypeStruct((L, 20), F32),
        ),
    )(so, vec6, xyz9, rin9, tin, motif, msa0,
      p["se3_Wl1"].reshape(1, 6),
      p["sc_n0_g"].reshape(1, -1), p["sc_n0_b"].reshape(1, -1),
      p["sc_ni_g"].reshape(1, -1), p["sc_ni_b"].reshape(1, -1),
      p["sc_Ws0"].T, p["sc_bs0"].reshape(1, -1),
      p["sc_Wsi"].T, p["sc_bsi"].reshape(1, -1),
      p["sc_W1"].T, p["sc_b1"].reshape(1, -1),
      p["sc_W2"].T, p["sc_b2"].reshape(1, -1),
      p["sc_W3"].T, p["sc_b3"].reshape(1, -1),
      p["sc_W4"].T, p["sc_b4"].reshape(1, -1),
      p["sc_Wout"].T, p["sc_bout"].reshape(1, -1))


def kernel(msa, pair, R_in, T_in, xyz, state, params, idx, motif_mask):
    p = params
    msa0 = msa[0, 0]
    st = state[0]
    ca = xyz[0, :, 1, :]
    caT = ca.T
    idxf = idx[0].astype(F32)
    idxc = idxf.reshape(L, 1)
    idxr = idxf.reshape(1, L)

    node, nbr, nbr_flat = _run_prep(msa0, st, ca, caT, idxc, idxr, p)

    table = pair.reshape(L * L, D_PAIR)
    praw = _sc_gather(table, nbr_flat.reshape(E))

    caidx = jnp.concatenate([ca, idxc], axis=1)
    acc = _run_edges(praw, nbr, node, caidx, p)
    so = acc[:, :L0_OUT]
    vec6 = acc[:, L0_OUT:]

    ri9, ti, so_out, alpha = _run_final(
        so, vec6, xyz[0].reshape(L, 9), R_in[0].reshape(L, 9), T_in[0],
        motif_mask.astype(F32).reshape(L, 1), msa0, p)

    return (ri9.reshape(1, L, 3, 3), ti.reshape(1, L, 3),
            so_out.reshape(1, L, L0_OUT), alpha.reshape(1, L, 10, 2))

# --- scband reference (transcript-rebuilt; emitter-appended) ---
"""Pipeline reference for scband-str2-str-44547400794149 (READ-ONLY COPY).

The authoritative reference and input builder live on the scoring server;
editing this copy changes nothing except your own understanding.
"""

import jax, jax.numpy as jnp
import numpy as np

D_MSA = 256; D_PAIR = 128; D_STATE = 16
L0_IN = 32; L0_OUT = 16; D_EDGE = 32
B = 1; N = 4; L = 512; TOPK = 64; H = 64


def _ln(x, g, b, eps=1e-5):
    mu = jnp.mean(x, axis=-1, keepdims=True)
    var = jnp.mean((x - mu) ** 2, axis=-1, keepdims=True)
    return (x - mu) / jnp.sqrt(var + eps) * g + b


def _rbf(D):
    mu = jnp.linspace(2.0, 22.0, 36)
    sigma = (22.0 - 2.0) / 36.0
    return jnp.exp(-((D[..., None] - mu) / sigma) ** 2)


def _get_seqsep(idx):
    seqsep = idx[:, None, :] - idx[:, :, None]
    sign = jnp.sign(seqsep).astype(jnp.float32)
    neigh = jnp.abs(seqsep)
    neigh = jnp.where(neigh > 1, 0, neigh).astype(jnp.float32)
    return (sign * neigh)[..., None]


def _cdist(a, b):
    d2 = jnp.sum((a[:, :, None, :] - b[:, None, :, :]) ** 2, axis=-1)
    return jnp.sqrt(d2 + 1e-12)


def _make_params(key):
    ks = iter(jax.random.split(key, 64))
    def w(shape):
        return jax.random.normal(next(ks), shape, dtype=jnp.float32) / np.sqrt(shape[-1])
    p = {}
    for nm, d in [("nm", D_MSA), ("np", D_PAIR), ("ns", D_STATE), ("nn", L0_IN), ("ne1", D_EDGE), ("ne2", D_EDGE), ("sc_n0", D_MSA), ("sc_ni", L0_OUT)]:
        p[nm + "_g"] = jnp.ones((d,), jnp.float32)
        p[nm + "_b"] = jnp.zeros((d,), jnp.float32)
    p["Wx"] = w((L0_IN, D_MSA + D_STATE)); p["bx"] = jnp.zeros((L0_IN,), jnp.float32)
    p["We1"] = w((D_EDGE, D_PAIR)); p["be1"] = jnp.zeros((D_EDGE,), jnp.float32)
    p["We2"] = w((D_EDGE, D_EDGE + 36 + 1)); p["be2"] = jnp.zeros((D_EDGE,), jnp.float32)
    p["se3_W1"] = w((2 * L0_IN + D_EDGE, H)); p["se3_b1"] = jnp.zeros((H,), jnp.float32)
    p["se3_W0"] = w((H, L0_OUT))
    p["se3_Wv"] = w((H, 2))
    p["se3_Wl1"] = w((2, 3))
    p["sc_Ws0"] = w((128, D_MSA)); p["sc_bs0"] = jnp.zeros((128,), jnp.float32)
    p["sc_Wsi"] = w((128, L0_OUT)); p["sc_bsi"] = jnp.zeros((128,), jnp.float32)
    for i in range(1, 5):
        p["sc_W%d" % i] = w((128, 128)); p["sc_b%d" % i] = jnp.zeros((128,), jnp.float32)
    p["sc_Wout"] = w((20, 128)); p["sc_bout"] = jnp.zeros((20,), jnp.float32)
    return p


def setup_inputs(seed: int = 0):
    key = jax.random.key(seed)
    ks = jax.random.split(key, 8)
    msa = jax.random.normal(ks[0], (B, N, L, D_MSA), jnp.float32)
    pair = jax.random.normal(ks[1], (B, L, L, D_PAIR), jnp.float32)
    xyz = jax.random.normal(ks[2], (B, L, 3, 3), jnp.float32) * 5.0
    state = jax.random.normal(ks[3], (B, L, D_STATE), jnp.float32)
    T_in = jax.random.normal(ks[4], (B, L, 3), jnp.float32)
    R_in = jax.random.normal(ks[5], (B, L, 3, 3), jnp.float32)
    idx = jnp.tile(jnp.arange(L, dtype=jnp.int32)[None], (B, 1))
    motif_mask = jnp.zeros((L,), bool)
    params = _make_params(ks[6])
    return {"msa": msa, "pair": pair, "R_in": R_in, "T_in": T_in, "xyz": xyz, "state": state, "params": params, "idx": idx, "motif_mask": motif_mask}


def _forward(msa, pair, R_in, T_in, xyz, state, p, idx, motif_mask):
    Bv, Nv, Lv = msa.shape[:3]
    node = _ln(msa[:, 0], p["nm_g"], p["nm_b"])
    pair = _ln(pair, p["np_g"], p["np_b"])
    st = _ln(state, p["ns_g"], p["ns_b"])
    node = jnp.concatenate([node, st], axis=-1)
    node = _ln(node @ p["Wx"].T + p["bx"], p["nn_g"], p["nn_b"])
    pair = _ln(pair @ p["We1"].T + p["be1"], p["ne1_g"], p["ne1_b"])
    neighbor = _get_seqsep(idx)
    Ca = xyz[:, :, 1, :]
    rbf_feat = _rbf(_cdist(Ca, Ca))
    pair = jnp.concatenate([pair, rbf_feat, neighbor], axis=-1)
    pair = _ln(pair @ p["We2"].T + p["be2"], p["ne2_g"], p["ne2_b"])
    # top-k kNN graph (distance + tiny seqsep tiebreak, self excluded)
    D = _cdist(Ca, Ca) + jnp.eye(Lv, dtype=jnp.float32)[None] * 999.9
    sep = jnp.abs(idx[:, None, :] - idx[:, :, None]).astype(jnp.float32) + jnp.eye(Lv, dtype=jnp.float32)[None] * 999.9
    Dg = jax.lax.stop_gradient(D + sep * 1e-6)
    _, nbr = jax.lax.top_k(-Dg, TOPK)
    bi = jnp.arange(Bv)[:, None, None]
    ii = jnp.arange(Lv)[None, :, None]
    src = jnp.broadcast_to(bi * Lv + ii, nbr.shape).reshape(-1)
    dst = (bi * Lv + nbr).reshape(-1)
    e_feat = pair[bi, ii, nbr].reshape(-1, D_EDGE)
    node_flat = node.reshape(Bv * Lv, L0_IN)
    l1_feats = (xyz - xyz[:, :, 1:2, :]).reshape(Bv * Lv, -1, 3)
    m = jnp.concatenate([node_flat[src], node_flat[dst], e_feat], axis=-1)
    m = jax.nn.relu(m @ p["se3_W1"] + p["se3_b1"])
    node0 = jax.ops.segment_sum(m @ p["se3_W0"], dst, num_segments=Bv * Lv)
    pos = Ca.reshape(Bv * Lv, 3)
    rel = pos[src] - pos[dst]
    vw = m @ p["se3_Wv"]
    vec = jax.ops.segment_sum(vw[:, :, None] * rel[:, None, :], dst, num_segments=Bv * Lv)
    vec = vec + jnp.einsum('nad,ka->nkd', l1_feats, p["se3_Wl1"])
    state_out = node0.reshape(Bv, Lv, L0_OUT)
    offset = vec.reshape(Bv, Lv, 2, 3)
    offset = jnp.where(motif_mask[None, :, None, None], 0.0, offset)
    delTi = offset[:, :, 0, :] / 10.0
    Rv = offset[:, :, 1, :] / 100.0
    Qnorm = jnp.sqrt(1.0 + jnp.sum(Rv * Rv, axis=-1))
    qA = 1.0 / Qnorm
    qB = Rv[:, :, 0] / Qnorm
    qC = Rv[:, :, 1] / Qnorm
    qD = Rv[:, :, 2] / Qnorm
    r0 = jnp.stack([qA*qA+qB*qB-qC*qC-qD*qD, 2*qB*qC-2*qA*qD, 2*qB*qD+2*qA*qC], axis=-1)
    r1 = jnp.stack([2*qB*qC+2*qA*qD, qA*qA-qB*qB+qC*qC-qD*qD, 2*qC*qD-2*qA*qB], axis=-1)
    r2 = jnp.stack([2*qB*qD-2*qA*qC, 2*qC*qD+2*qA*qB, qA*qA-qB*qB-qC*qC+qD*qD], axis=-1)
    delRi = jnp.stack([r0, r1, r2], axis=-2)
    Ri = jnp.einsum('bnij,bnjk->bnik', delRi, R_in)
    Ti = delTi + T_in
    # SCPred
    seq = _ln(msa[:, 0], p["sc_n0_g"], p["sc_n0_b"])
    si_st = _ln(state_out, p["sc_ni_g"], p["sc_ni_b"])
    si = seq @ p["sc_Ws0"].T + p["sc_bs0"] + si_st @ p["sc_Wsi"].T + p["sc_bsi"]
    h = jax.nn.relu(si) @ p["sc_W1"].T + p["sc_b1"]
    si = si + jax.nn.relu(h) @ p["sc_W2"].T + p["sc_b2"]
    h = jax.nn.relu(si) @ p["sc_W3"].T + p["sc_b3"]
    si = si + jax.nn.relu(h) @ p["sc_W4"].T + p["sc_b4"]
    alpha = (jax.nn.relu(si) @ p["sc_Wout"].T + p["sc_bout"]).reshape(Bv, Lv, 10, 2)
    return Ri, Ti, state_out, alpha


def reference(msa, pair, R_in, T_in, xyz, state, params, idx, motif_mask):
    return _forward(msa, pair, R_in, T_in, xyz, state, params, idx, motif_mask)

if __name__ == "__main__":
    import jax
    _d = setup_inputs()
    print(jax.jit(kernel)(*tuple(_d.values())))

</pallas_src>

<mosaic_0001>
#map = affine_map<(d0, d1) -> (0, 0)>
#map1 = affine_map<(d0, d1) -> (0)>
module attributes {stable_mosaic.version = 14 : i64} {
  func.func @k(%arg0: i32, %arg1: i32, %arg2: memref<262144x128xf32, #tpu.memory_space<hbm>>, %arg3: memref<32768xi32, #tpu.memory_space<hbm>>, %arg4: memref<32768x128xf32, #tpu.memory_space<hbm>>, %arg5: memref<256xi32, #tpu.memory_space<vmem>>, %arg6: memref<256x128xf32, #tpu.memory_space<vmem>>, %arg7: memref<!tpu.dma_semaphore, #tpu.memory_space<semaphore_mem>>) attributes {dimension_semantics = [#tpu.dimension_semantics<core_parallel>, #tpu.dimension_semantics<subcore_parallel>], iteration_bounds = array<i64: 2, 16>, scalar_prefetch = 0 : i64, scratch_operands = 3 : i64, tpu.core_type = #tpu.core_type<sc_vector_subcore>, window_params = [{transform_indices = #map}, {transform_indices = #map1}, {transform_indices = #map}]} {
    %mul3A = arith.constant 2 : i32
    %mul3A_0 = arith.muli %arg1, %mul3A : i32
    %add3A = arith.addi %mul3A_0, %arg0 : i32
    %mul3A_1 = arith.constant 1024 : i32
    %mul3A_2 = arith.muli %add3A, %mul3A_1 : i32
    %add3A_3 = arith.constant 0 : i32
    %add3A_4 = arith.addi %mul3A_2, %add3A_3 : i32
    "tpu.region"() ({
      %run_scoped3A = tpu.sem_alloc : memref<!tpu.dma_semaphore, #tpu.memory_space<semaphore_mem>>
      %dma_start3A_33 = tpu.memref_slice %arg3[%add3A_4] : memref<32768xi32, #tpu.memory_space<hbm>> -> memref<256xi32, #tpu.memory_space<hbm>>
      %dma_start3A_34 = tpu.memref_slice %arg3[%add3A_4] : memref<32768xi32, #tpu.memory_space<hbm>> -> memref<256xi32, #tpu.memory_space<hbm>>
      tpu.enqueue_dma source(%dma_start3A_34 : memref<256xi32, #tpu.memory_space<hbm>>) target(%arg5 : memref<256xi32, #tpu.memory_space<vmem>>) target_semaphore(%run_scoped3A : memref<!tpu.dma_semaphore, #tpu.memory_space<semaphore_mem>>)
      %dma_wait3A_35 = tpu.memref_slice %arg3[%add3A_4] : memref<32768xi32, #tpu.memory_space<hbm>> -> memref<256xi32, #tpu.memory_space<hbm>>
      %dma_wait3A_36 = tpu.memref_slice %arg3[%add3A_4] : memref<32768xi32, #tpu.memory_space<hbm>> -> memref<256xi32, #tpu.memory_space<hbm>>
      tpu.wait_dma2 semaphore(%run_scoped3A : memref<!tpu.dma_semaphore, #tpu.memory_space<semaphore_mem>>) src(%dma_wait3A_36 : memref<256xi32, #tpu.memory_space<hbm>>) dst(%arg5 : memref<256xi32, #tpu.memory_space<vmem>>)
      tpu.yield
    }) : () -> ()
    %dma_start3A = arith.constant 0 : i32
    %dma_start3A_5 = arith.constant 0 : i32
    %dma_start3A_6 = tpu.memref_slice %arg2[%dma_start3A, %dma_start3A_5] : memref<262144x128xf32, #tpu.memory_space<hbm>> -> memref<262144x128xf32, #tpu.memory_space<hbm>>
    tpu.enqueue_indirect_dma source(%dma_start3A_6 : memref<262144x128xf32, #tpu.memory_space<hbm>>) target(%arg6 : memref<256x128xf32, #tpu.memory_space<vmem>>) offsets(%arg5 : memref<256xi32, #tpu.memory_space<vmem>>) semaphore(%arg7 : memref<!tpu.dma_semaphore, #tpu.memory_space<semaphore_mem>>)
    %dma_wait3A = arith.constant 0 : i32
    %dma_wait3A_7 = arith.constant 0 : i32
    %dma_wait3A_8 = tpu.memref_slice %arg2[%dma_wait3A, %dma_wait3A_7] : memref<262144x128xf32, #tpu.memory_space<hbm>> -> memref<262144x128xf32, #tpu.memory_space<hbm>>
    tpu.wait_indirect_dma semaphore(%arg7 : memref<!tpu.dma_semaphore, #tpu.memory_space<semaphore_mem>>) src(%dma_wait3A_8 : memref<262144x128xf32, #tpu.memory_space<hbm>>) dst(%arg6 : memref<256x128xf32, #tpu.memory_space<vmem>>)
    "tpu.region"() ({
      %run_scoped3A = tpu.sem_alloc : memref<!tpu.dma_semaphore, #tpu.memory_space<semaphore_mem>>
      %dma_start3A_33 = arith.constant 0 : i32
      %dma_start3A_34 = tpu.memref_slice %arg4[%add3A_4, %dma_start3A_33] : memref<32768x128xf32, #tpu.memory_space<hbm>> -> memref<256x128xf32, #tpu.memory_space<hbm>>
      %dma_start3A_35 = arith.constant 0 : i32
      %dma_start3A_36 = tpu.memref_slice %arg4[%add3A_4, %dma_start3A_35] : memref<32768x128xf32, #tpu.memory_space<hbm>> -> memref<256x128xf32, #tpu.memory_space<hbm>>
      tpu.enqueue_dma source(%arg6 : memref<256x128xf32, #tpu.memory_space<vmem>>) target(%dma_start3A_36 : memref<256x128xf32, #tpu.memory_space<hbm>>) target_semaphore(%run_scoped3A : memref<!tpu.dma_semaphore, #tpu.memory_space<semaphore_mem>>)
      %dma_wait3A_37 = arith.constant 0 : i32
      %dma_wait3A_38 = tpu.memref_slice %arg4[%add3A_4, %dma_wait3A_37] : memref<32768x128xf32, #tpu.memory_space<hbm>> -> memref<256x128xf32, #tpu.memory_space<hbm>>
      %dma_wait3A_39 = arith.constant 0 : i32
      %dma_wait3A_40 = tpu.memref_slice %arg4[%add3A_4, %dma_wait3A_39] : memref<32768x128xf32, #tpu.memory_space<hbm>> -> memref<256x128xf32, #tpu.memory_space<hbm>>
      tpu.wait_dma2 semaphore(%run_scoped3A : memref<!tpu.dma_semaphore, #tpu.memory_space<semaphore_mem>>) src(%arg6 : memref<256x128xf32, #tpu.memory_space<vmem>>) dst(%dma_wait3A_40 : memref<256x128xf32, #tpu.memory_space<hbm>>)
      tpu.yield
    }) : () -> ()
    %add3A_9 = arith.constant 256 : i32
    %add3A_10 = arith.addi %mul3A_2, %add3A_9 : i32
    "tpu.region"() ({
      %run_scoped3A = tpu.sem_alloc : memref<!tpu.dma_semaphore, #tpu.memory_space<semaphore_mem>>
      %dma_start3A_33 = tpu.memref_slice %arg3[%add3A_10] : memref<32768xi32, #tpu.memory_space<hbm>> -> memref<256xi32, #tpu.memory_space<hbm>>
      %dma_start3A_34 = tpu.memref_slice %arg3[%add3A_10] : memref<32768xi32, #tpu.memory_space<hbm>> -> memref<256xi32, #tpu.memory_space<hbm>>
      tpu.enqueue_dma source(%dma_start3A_34 : memref<256xi32, #tpu.memory_space<hbm>>) target(%arg5 : memref<256xi32, #tpu.memory_space<vmem>>) target_semaphore(%run_scoped3A : memref<!tpu.dma_semaphore, #tpu.memory_space<semaphore_mem>>)
      %dma_wait3A_35 = tpu.memref_slice %arg3[%add3A_10] : memref<32768xi32, #tpu.memory_space<hbm>> -> memref<256xi32, #tpu.memory_space<hbm>>
      %dma_wait3A_36 = tpu.memref_slice %arg3[%add3A_10] : memref<32768xi32, #tpu.memory_space<hbm>> -> memref<256xi32, #tpu.memory_space<hbm>>
      tpu.wait_dma2 semaphore(%run_scoped3A : memref<!tpu.dma_semaphore, #tpu.memory_space<semaphore_mem>>) src(%dma_wait3A_36 : memref<256xi32, #tpu.memory_space<hbm>>) dst(%arg5 : memref<256xi32, #tpu.memory_space<vmem>>)
      tpu.yield
    }) : () -> ()
    %dma_start3A_11 = arith.constant 0 : i32
    %dma_start3A_12 = arith.constant 0 : i32
    %dma_start3A_13 = tpu.memref_slice %arg2[%dma_start3A_11, %dma_start3A_12] : memref<262144x128xf32, #tpu.memory_space<hbm>> -> memref<262144x128xf32, #tpu.memory_space<hbm>>
    tpu.enqueue_indirect_dma source(%dma_start3A_13 : memref<262144x128xf32, #tpu.memory_space<hbm>>) target(%arg6 : memref<256x128xf32, #tpu.memory_space<vmem>>) offsets(%arg5 : memref<256xi32, #tpu.memory_space<vmem>>) semaphore(%arg7 : memref<!tpu.dma_semaphore, #tpu.memory_space<semaphore_mem>>)
    %dma_wait3A_14 = arith.constant 0 : i32
    %dma_wait3A_15 = arith.constant 0 : i32
    %dma_wait3A_16 = tpu.memref_slice %arg2[%dma_wait3A_14, %dma_wait3A_15] : memref<262144x128xf32, #tpu.memory_space<hbm>> -> memref<262144x128xf32, #tpu.memory_space<hbm>>
    tpu.wait_indirect_dma semaphore(%arg7 : memref<!tpu.dma_semaphore, #tpu.memory_space<semaphore_mem>>) src(%dma_wait3A_16 : memref<262144x128xf32, #tpu.memory_space<hbm>>) dst(%arg6 : memref<256x128xf32, #tpu.memory_space<vmem>>)
    "tpu.region"() ({
      %run_scoped3A = tpu.sem_alloc : memref<!tpu.dma_semaphore, #tpu.memory_space<semaphore_mem>>
      %dma_start3A_33 = arith.constant 0 : i32
      %dma_start3A_34 = tpu.memref_slice %arg4[%add3A_10, %dma_start3A_33] : memref<32768x128xf32, #tpu.memory_space<hbm>> -> memref<256x128xf32, #tpu.memory_space<hbm>>
      %dma_start3A_35 = arith.constant 0 : i32
      %dma_start3A_36 = tpu.memref_slice %arg4[%add3A_10, %dma_start3A_35] : memref<32768x128xf32, #tpu.memory_space<hbm>> -> memref<256x128xf32, #tpu.memory_space<hbm>>
      tpu.enqueue_dma source(%arg6 : memref<256x128xf32, #tpu.memory_space<vmem>>) target(%dma_start3A_36 : memref<256x128xf32, #tpu.memory_space<hbm>>) target_semaphore(%run_scoped3A : memref<!tpu.dma_semaphore, #tpu.memory_space<semaphore_mem>>)
      %dma_wait3A_37 = arith.constant 0 : i32
      %dma_wait3A_38 = tpu.memref_slice %arg4[%add3A_10, %dma_wait3A_37] : memref<32768x128xf32, #tpu.memory_space<hbm>> -> memref<256x128xf32, #tpu.memory_space<hbm>>
      %dma_wait3A_39 = arith.constant 0 : i32
      %dma_wait3A_40 = tpu.memref_slice %arg4[%add3A_10, %dma_wait3A_39] : memref<32768x128xf32, #tpu.memory_space<hbm>> -> memref<256x128xf32, #tpu.memory_space<hbm>>
      tpu.wait_dma2 semaphore(%run_scoped3A : memref<!tpu.dma_semaphore, #tpu.memory_space<semaphore_mem>>) src(%arg6 : memref<256x128xf32, #tpu.memory_space<vmem>>) dst(%dma_wait3A_40 : memref<256x128xf32, #tpu.memory_space<hbm>>)
      tpu.yield
    }) : () -> ()
    %add3A_17 = arith.constant 512 : i32
    %add3A_18 = arith.addi %mul3A_2, %add3A_17 : i32
    "tpu.region"() ({
      %run_scoped3A = tpu.sem_alloc : memref<!tpu.dma_semaphore, #tpu.memory_space<semaphore_mem>>
      %dma_start3A_33 = tpu.memref_slice %arg3[%add3A_18] : memref<32768xi32, #tpu.memory_space<hbm>> -> memref<256xi32, #tpu.memory_space<hbm>>
      %dma_start3A_34 = tpu.memref_slice %arg3[%add3A_18] : memref<32768xi32, #tpu.memory_space<hbm>> -> memref<256xi32, #tpu.memory_space<hbm>>
      tpu.enqueue_dma source(%dma_start3A_34 : memref<256xi32, #tpu.memory_space<hbm>>) target(%arg5 : memref<256xi32, #tpu.memory_space<vmem>>) target_semaphore(%run_scoped3A : memref<!tpu.dma_semaphore, #tpu.memory_space<semaphore_mem>>)
      %dma_wait3A_35 = tpu.memref_slice %arg3[%add3A_18] : memref<32768xi32, #tpu.memory_space<hbm>> -> memref<256xi32, #tpu.memory_space<hbm>>
      %dma_wait3A_36 = tpu.memref_slice %arg3[%add3A_18] : memref<32768xi32, #tpu.memory_space<hbm>> -> memref<256xi32, #tpu.memory_space<hbm>>
      tpu.wait_dma2 semaphore(%run_scoped3A : memref<!tpu.dma_semaphore, #tpu.memory_space<semaphore_mem>>) src(%dma_wait3A_36 : memref<256xi32, #tpu.memory_space<hbm>>) dst(%arg5 : memref<256xi32, #tpu.memory_space<vmem>>)
      tpu.yield
    }) : () -> ()
    %dma_start3A_19 = arith.constant 0 : i32
    %dma_start3A_20 = arith.constant 0 : i32
    %dma_start3A_21 = tpu.memref_slice %arg2[%dma_start3A_19, %dma_start3A_20] : memref<262144x128xf32, #tpu.memory_space<hbm>> -> memref<262144x128xf32, #tpu.memory_space<hbm>>
    tpu.enqueue_indirect_dma source(%dma_start3A_21 : memref<262144x128xf32, #tpu.memory_space<hbm>>) target(%arg6 : memref<256x128xf32, #tpu.memory_space<vmem>>) offsets(%arg5 : memref<256xi32, #tpu.memory_space<vmem>>) semaphore(%arg7 : memref<!tpu.dma_semaphore, #tpu.memory_space<semaphore_mem>>)
    %dma_wait3A_22 = arith.constant 0 : i32
    %dma_wait3A_23 = arith.constant 0 : i32
    %dma_wait3A_24 = tpu.memref_slice %arg2[%dma_wait3A_22, %dma_wait3A_23] : memref<262144x128xf32, #tpu.memory_space<hbm>> -> memref<262144x128xf32, #tpu.memory_space<hbm>>
    tpu.wait_indirect_dma semaphore(%arg7 : memref<!tpu.dma_semaphore, #tpu.memory_space<semaphore_mem>>) src(%dma_wait3A_24 : memref<262144x128xf32, #tpu.memory_space<hbm>>) dst(%arg6 : memref<256x128xf32, #tpu.memory_space<vmem>>)
    "tpu.region"() ({
      %run_scoped3A = tpu.sem_alloc : memref<!tpu.dma_semaphore, #tpu.memory_space<semaphore_mem>>
      %dma_start3A_33 = arith.constant 0 : i32
      %dma_start3A_34 = tpu.memref_slice %arg4[%add3A_18, %dma_start3A_33] : memref<32768x128xf32, #tpu.memory_space<hbm>> -> memref<256x128xf32, #tpu.memory_space<hbm>>
      %dma_start3A_35 = arith.constant 0 : i32
      %dma_start3A_36 = tpu.memref_slice %arg4[%add3A_18, %dma_start3A_35] : memref<32768x128xf32, #tpu.memory_space<hbm>> -> memref<256x128xf32, #tpu.memory_space<hbm>>
      tpu.enqueue_dma source(%arg6 : memref<256x128xf32, #tpu.memory_space<vmem>>) target(%dma_start3A_36 : memref<256x128xf32, #tpu.memory_space<hbm>>) target_semaphore(%run_scoped3A : memref<!tpu.dma_semaphore, #tpu.memory_space<semaphore_mem>>)
      %dma_wait3A_37 = arith.constant 0 : i32
      %dma_wait3A_38 = tpu.memref_slice %arg4[%add3A_18, %dma_wait3A_37] : memref<32768x128xf32, #tpu.memory_space<hbm>> -> memref<256x128xf32, #tpu.memory_space<hbm>>
      %dma_wait3A_39 = arith.constant 0 : i32
      %dma_wait3A_40 = tpu.memref_slice %arg4[%add3A_18, %dma_wait3A_39] : memref<32768x128xf32, #tpu.memory_space<hbm>> -> memref<256x128xf32, #tpu.memory_space<hbm>>
      tpu.wait_dma2 semaphore(%run_scoped3A : memref<!tpu.dma_semaphore, #tpu.memory_space<semaphore_mem>>) src(%arg6 : memref<256x128xf32, #tpu.memory_space<vmem>>) dst(%dma_wait3A_40 : memref<256x128xf32, #tpu.memory_space<hbm>>)
      tpu.yield
    }) : () -> ()
    %add3A_25 = arith.constant 768 : i32
    %add3A_26 = arith.addi %mul3A_2, %add3A_25 : i32
    "tpu.region"() ({
      %run_scoped3A = tpu.sem_alloc : memref<!tpu.dma_semaphore, #tpu.memory_space<semaphore_mem>>
      %dma_start3A_33 = tpu.memref_slice %arg3[%add3A_26] : memref<32768xi32, #tpu.memory_space<hbm>> -> memref<256xi32, #tpu.memory_space<hbm>>
      %dma_start3A_34 = tpu.memref_slice %arg3[%add3A_26] : memref<32768xi32, #tpu.memory_space<hbm>> -> memref<256xi32, #tpu.memory_space<hbm>>
      tpu.enqueue_dma source(%dma_start3A_34 : memref<256xi32, #tpu.memory_space<hbm>>) target(%arg5 : memref<256xi32, #tpu.memory_space<vmem>>) target_semaphore(%run_scoped3A : memref<!tpu.dma_semaphore, #tpu.memory_space<semaphore_mem>>)
      %dma_wait3A_35 = tpu.memref_slice %arg3[%add3A_26] : memref<32768xi32, #tpu.memory_space<hbm>> -> memref<256xi32, #tpu.memory_space<hbm>>
      %dma_wait3A_36 = tpu.memref_slice %arg3[%add3A_26] : memref<32768xi32, #tpu.memory_space<hbm>> -> memref<256xi32, #tpu.memory_space<hbm>>
      tpu.wait_dma2 semaphore(%run_scoped3A : memref<!tpu.dma_semaphore, #tpu.memory_space<semaphore_mem>>) src(%dma_wait3A_36 : memref<256xi32, #tpu.memory_space<hbm>>) dst(%arg5 : memref<256xi32, #tpu.memory_space<vmem>>)
      tpu.yield
    }) : () -> ()
    %dma_start3A_27 = arith.constant 0 : i32
    %dma_start3A_28 = arith.constant 0 : i32
    %dma_start3A_29 = tpu.memref_slice %arg2[%dma_start3A_27, %dma_start3A_28] : memref<262144x128xf32, #tpu.memory_space<hbm>> -> memref<262144x128xf32, #tpu.memory_space<hbm>>
    tpu.enqueue_indirect_dma source(%dma_start3A_29 : memref<262144x128xf32, #tpu.memory_space<hbm>>) target(%arg6 : memref<256x128xf32, #tpu.memory_space<vmem>>) offsets(%arg5 : memref<256xi32, #tpu.memory_space<vmem>>) semaphore(%arg7 : memref<!tpu.dma_semaphore, #tpu.memory_space<semaphore_mem>>)
    %dma_wait3A_30 = arith.constant 0 : i32
    %dma_wait3A_31 = arith.constant 0 : i32
    %dma_wait3A_32 = tpu.memref_slice %arg2[%dma_wait3A_30, %dma_wait3A_31] : memref<262144x128xf32, #tpu.memory_space<hbm>> -> memref<262144x128xf32, #tpu.memory_space<hbm>>
    tpu.wait_indirect_dma semaphore(%arg7 : memref<!tpu.dma_semaphore, #tpu.memory_space<semaphore_mem>>) src(%dma_wait3A_32 : memref<262144x128xf32, #tpu.memory_space<hbm>>) dst(%arg6 : memref<256x128xf32, #tpu.memory_space<vmem>>)
    "tpu.region"() ({
      %run_scoped3A = tpu.sem_alloc : memref<!tpu.dma_semaphore, #tpu.memory_space<semaphore_mem>>
      %dma_start3A_33 = arith.constant 0 : i32
      %dma_start3A_34 = tpu.memref_slice %arg4[%add3A_26, %dma_start3A_33] : memref<32768x128xf32, #tpu.memory_space<hbm>> -> memref<256x128xf32, #tpu.memory_space<hbm>>
      %dma_start3A_35 = arith.constant 0 : i32
      %dma_start3A_36 = tpu.memref_slice %arg4[%add3A_26, %dma_start3A_35] : memref<32768x128xf32, #tpu.memory_space<hbm>> -> memref<256x128xf32, #tpu.memory_space<hbm>>
      tpu.enqueue_dma source(%arg6 : memref<256x128xf32, #tpu.memory_space<vmem>>) target(%dma_start3A_36 : memref<256x128xf32, #tpu.memory_space<hbm>>) target_semaphore(%run_scoped3A : memref<!tpu.dma_semaphore, #tpu.memory_space<semaphore_mem>>)
      %dma_wait3A_37 = arith.constant 0 : i32
      %dma_wait3A_38 = tpu.memref_slice %arg4[%add3A_26, %dma_wait3A_37] : memref<32768x128xf32, #tpu.memory_space<hbm>> -> memref<256x128xf32, #tpu.memory_space<hbm>>
      %dma_wait3A_39 = arith.constant 0 : i32
      %dma_wait3A_40 = tpu.memref_slice %arg4[%add3A_26, %dma_wait3A_39] : memref<32768x128xf32, #tpu.memory_space<hbm>> -> memref<256x128xf32, #tpu.memory_space<hbm>>
      tpu.wait_dma2 semaphore(%run_scoped3A : memref<!tpu.dma_semaphore, #tpu.memory_space<semaphore_mem>>) src(%arg6 : memref<256x128xf32, #tpu.memory_space<vmem>>) dst(%dma_wait3A_40 : memref<256x128xf32, #tpu.memory_space<hbm>>)
      tpu.yield
    }) : () -> ()
    return
  }
}

module attributes {stable_mosaic.version = 14 : i64} {
  func.func @_prep_body(%arg0: memref<512x256xf32, #tpu.memory_space<vmem>>, %arg1: memref<512x16xf32, #tpu.memory_space<vmem>>, %arg2: memref<512x3xf32, #tpu.memory_space<vmem>>, %arg3: memref<3x512xf32, #tpu.memory_space<vmem>>, %arg4: memref<512x1xf32, #tpu.memory_space<vmem>>, %arg5: memref<1x512xf32, #tpu.memory_space<vmem>>, %arg6: memref<1x256xf32, #tpu.memory_space<vmem>>, %arg7: memref<1x256xf32, #tpu.memory_space<vmem>>, %arg8: memref<1x16xf32, #tpu.memory_space<vmem>>, %arg9: memref<1x16xf32, #tpu.memory_space<vmem>>, %arg10: memref<256x32xf32, #tpu.memory_space<vmem>>, %arg11: memref<16x32xf32, #tpu.memory_space<vmem>>, %arg12: memref<1x32xf32, #tpu.memory_space<vmem>>, %arg13: memref<1x32xf32, #tpu.memory_space<vmem>>, %arg14: memref<1x32xf32, #tpu.memory_space<vmem>>, %arg15: memref<512x32xf32, #tpu.memory_space<vmem>>, %arg16: memref<512x64xi32, #tpu.memory_space<vmem>>, %arg17: memref<512x64xi32, #tpu.memory_space<vmem>>, %arg18: memref<512x512xi32, #tpu.memory_space<vmem>>, %arg19: memref<512x512xi32, #tpu.memory_space<vmem>>) attributes {dimension_semantics = [], scalar_prefetch = 0 : i64, scratch_operands = 2 : i64, tpu.core_type = #tpu.core_type<tc>} {
    %get3A = arith.constant 0 : index
    %get3A_0 = arith.constant 0 : index
    %get3A_1 = vector.load %arg0[%get3A, %get3A_0] : memref<512x256xf32, #tpu.memory_space<vmem>>, vector<512x256xf32>
    %get3A_2 = arith.constant 0 : index
    %get3A_3 = arith.constant 0 : index
    %get3A_4 = vector.load %arg6[%get3A_2, %get3A_3] : memref<1x256xf32, #tpu.memory_space<vmem>>, vector<1x256xf32>
    %get3A_5 = arith.constant 0 : index
    %get3A_6 = arith.constant 0 : index
    %get3A_7 = vector.load %arg7[%get3A_5, %get3A_6] : memref<1x256xf32, #tpu.memory_space<vmem>>, vector<1x256xf32>
    %reduce_sum3A = arith.constant dense<0.000000e+00> : vector<512xf32>
    %reduce_sum3A_8 = vector.multi_reduction <add>, %get3A_1, %reduce_sum3A [1] : vector<512x256xf32> to vector<512xf32>
    %broadcast_in_dim3A = vector.shape_cast %reduce_sum3A_8 : vector<512xf32> to vector<512x1xf32>
    %div3A = arith.constant 2.560000e+02 : f32
    %div3A_9 = vector.broadcast %div3A : f32 to vector<512x1xf32>
    %div3A_10 = arith.divf %broadcast_in_dim3A, %div3A_9 : vector<512x1xf32>
    %sub3A = vector.broadcast %div3A_10 : vector<512x1xf32> to vector<512x256xf32>
    %sub3A_11 = arith.subf %get3A_1, %sub3A : vector<512x256xf32>
    %integer_pow3A = arith.mulf %sub3A_11, %sub3A_11 : vector<512x256xf32>
    %reduce_sum3A_12 = arith.constant dense<0.000000e+00> : vector<512xf32>
    %reduce_sum3A_13 = vector.multi_reduction <add>, %integer_pow3A, %reduce_sum3A_12 [1] : vector<512x256xf32> to vector<512xf32>
    %broadcast_in_dim3A_14 = vector.shape_cast %reduce_sum3A_13 : vector<512xf32> to vector<512x1xf32>
    %div3A_15 = arith.constant 2.560000e+02 : f32
    %div3A_16 = vector.broadcast %div3A_15 : f32 to vector<512x1xf32>
    %div3A_17 = arith.divf %broadcast_in_dim3A_14, %div3A_16 : vector<512x1xf32>
    %sub3A_18 = vector.broadcast %div3A_10 : vector<512x1xf32> to vector<512x256xf32>
    %sub3A_19 = arith.subf %get3A_1, %sub3A_18 : vector<512x256xf32>
    %add3A = arith.constant 9.99999974E-6 : f32
    %add3A_20 = vector.broadcast %add3A : f32 to vector<512x1xf32>
    %add3A_21 = arith.addf %div3A_17, %add3A_20 : vector<512x1xf32>
    %sqrt3A = math.sqrt %add3A_21 : vector<512x1xf32>
    %div3A_22 = vector.broadcast %sqrt3A : vector<512x1xf32> to vector<512x256xf32>
    %div3A_23 = arith.divf %sub3A_19, %div3A_22 : vector<512x256xf32>
    %mul3A = vector.broadcast %get3A_4 : vector<1x256xf32> to vector<512x256xf32>
    %mul3A_24 = arith.mulf %div3A_23, %mul3A : vector<512x256xf32>
    %add3A_25 = vector.broadcast %get3A_7 : vector<1x256xf32> to vector<512x256xf32>
    %add3A_26 = arith.addf %mul3A_24, %add3A_25 : vector<512x256xf32>
    %get3A_27 = arith.constant 0 : index
    %get3A_28 = arith.constant 0 : index
    %get3A_29 = vector.load %arg1[%get3A_27, %get3A_28] : memref<512x16xf32, #tpu.memory_space<vmem>>, vector<512x16xf32>
    %get3A_30 = arith.constant 0 : index
    %get3A_31 = arith.constant 0 : index
    %get3A_32 = vector.load %arg8[%get3A_30, %get3A_31] : memref<1x16xf32, #tpu.memory_space<vmem>>, vector<1x16xf32>
    %get3A_33 = arith.constant 0 : index
    %get3A_34 = arith.constant 0 : index
    %get3A_35 = vector.load %arg9[%get3A_33, %get3A_34] : memref<1x16xf32, #tpu.memory_space<vmem>>, vector<1x16xf32>
    %reduce_sum3A_36 = arith.constant dense<0.000000e+00> : vector<512xf32>
    %reduce_sum3A_37 = vector.multi_reduction <add>, %get3A_29, %reduce_sum3A_36 [1] : vector<512x16xf32> to vector<512xf32>
    %broadcast_in_dim3A_38 = vector.shape_cast %reduce_sum3A_37 : vector<512xf32> to vector<512x1xf32>
    %div3A_39 = arith.constant 1.600000e+01 : f32
    %div3A_40 = vector.broadcast %div3A_39 : f32 to vector<512x1xf32>
    %div3A_41 = arith.divf %broadcast_in_dim3A_38, %div3A_40 : vector<512x1xf32>
    %sub3A_42 = vector.broadcast %div3A_41 : vector<512x1xf32> to vector<512x16xf32>
    %sub3A_43 = arith.subf %get3A_29, %sub3A_42 : vector<512x16xf32>
    %integer_pow3A_44 = arith.mulf %sub3A_43, %sub3A_43 : vector<512x16xf32>
    %reduce_sum3A_45 = arith.constant dense<0.000000e+00> : vector<512xf32>
    %reduce_sum3A_46 = vector.multi_reduction <add>, %integer_pow3A_44, %reduce_sum3A_45 [1] : vector<512x16xf32> to vector<512xf32>
    %broadcast_in_dim3A_47 = vector.shape_cast %reduce_sum3A_46 : vector<512xf32> to vector<512x1xf32>
    %div3A_48 = arith.constant 1.600000e+01 : f32
    %div3A_49 = vector.broadcast %div3A_48 : f32 to vector<512x1xf32>
    %div3A_50 = arith.divf %broadcast_in_dim3A_47, %div3A_49 : vector<512x1xf32>
    %sub3A_51 = vector.broadcast %div3A_41 : vector<512x1xf32> to vector<512x16xf32>
    %sub3A_52 = arith.subf %get3A_29, %sub3A_51 : vector<512x16xf32>
    %add3A_53 = arith.constant 9.99999974E-6 : f32
    %add3A_54 = vector.broadcast %add3A_53 : f32 to vector<512x1xf32>
    %add3A_55 = arith.addf %div3A_50, %add3A_54 : vector<512x1xf32>
    %sqrt3A_56 = math.sqrt %add3A_55 : vector<512x1xf32>
    %div3A_57 = vector.broadcast %sqrt3A_56 : vector<512x1xf32> to vector<512x16xf32>
    %div3A_58 = arith.divf %sub3A_52, %div3A_57 : vector<512x16xf32>
    %mul3A_59 = vector.broadcast %get3A_32 : vector<1x16xf32> to vector<512x16xf32>
    %mul3A_60 = arith.mulf %div3A_58, %mul3A_59 : vector<512x16xf32>
    %add3A_61 = vector.broadcast %get3A_35 : vector<1x16xf32> to vector<512x16xf32>
    %add3A_62 = arith.addf %mul3A_60, %add3A_61 : vector<512x16xf32>
    %get3A_63 = arith.constant 0 : index
    %get3A_64 = arith.constant 0 : index
    %get3A_65 = vector.load %arg10[%get3A_63, %get3A_64] : memref<256x32xf32, #tpu.memory_space<vmem>>, vector<256x32xf32>
    %dot_general3A = arith.constant dense<0.000000e+00> : vector<512x32xf32>
    %dot_general3A_66 = tpu.matmul %add3A_26, %get3A_65, %dot_general3A {dimension_numbers = #tpu.dot_dimension_numbers<[1], [0], [0], [1], [0, 0, 1, 1], [], []>, transpose_lhs_hint = false} : vector<512x256xf32>, vector<256x32xf32>, vector<512x32xf32> -> vector<512x32xf32>
    %get3A_67 = arith.constant 0 : index
    %get3A_68 = arith.constant 0 : index
    %get3A_69 = vector.load %arg11[%get3A_67, %get3A_68] : memref<16x32xf32, #tpu.memory_space<vmem>>, vector<16x32xf32>
    %dot_general3A_70 = arith.constant dense<0.000000e+00> : vector<512x32xf32>
    %dot_general3A_71 = tpu.matmul %add3A_62, %get3A_69, %dot_general3A_70 {dimension_numbers = #tpu.dot_dimension_numbers<[1], [0], [0], [1], [0, 0, 1, 1], [], []>, transpose_lhs_hint = false} : vector<512x16xf32>, vector<16x32xf32>, vector<512x32xf32> -> vector<512x32xf32>
    %add3A_72 = arith.addf %dot_general3A_66, %dot_general3A_71 : vector<512x32xf32>
    %get3A_73 = arith.constant 0 : index
    %get3A_74 = arith.constant 0 : index
    %get3A_75 = vector.load %arg12[%get3A_73, %get3A_74] : memref<1x32xf32, #tpu.memory_space<vmem>>, vector<1x32xf32>
    %add3A_76 = vector.broadcast %get3A_75 : vector<1x32xf32> to vector<512x32xf32>
    %add3A_77 = arith.addf %add3A_72, %add3A_76 : vector<512x32xf32>
    %get3A_78 = arith.constant 0 : index
    %get3A_79 = arith.constant 0 : index
    %get3A_80 = vector.load %arg13[%get3A_78, %get3A_79] : memref<1x32xf32, #tpu.memory_space<vmem>>, vector<1x32xf32>
    %get3A_81 = arith.constant 0 : index
    %get3A_82 = arith.constant 0 : index
    %get3A_83 = vector.load %arg14[%get3A_81, %get3A_82] : memref<1x32xf32, #tpu.memory_space<vmem>>, vector<1x32xf32>
    %reduce_sum3A_84 = arith.constant dense<0.000000e+00> : vector<512xf32>
    %reduce_sum3A_85 = vector.multi_reduction <add>, %add3A_77, %reduce_sum3A_84 [1] : vector<512x32xf32> to vector<512xf32>
    %broadcast_in_dim3A_86 = vector.shape_cast %reduce_sum3A_85 : vector<512xf32> to vector<512x1xf32>
    %div3A_87 = arith.constant 3.200000e+01 : f32
    %div3A_88 = vector.broadcast %div3A_87 : f32 to vector<512x1xf32>
    %div3A_89 = arith.divf %broadcast_in_dim3A_86, %div3A_88 : vector<512x1xf32>
    %sub3A_90 = vector.broadcast %div3A_89 : vector<512x1xf32> to vector<512x32xf32>
    %sub3A_91 = arith.subf %add3A_77, %sub3A_90 : vector<512x32xf32>
    %integer_pow3A_92 = arith.mulf %sub3A_91, %sub3A_91 : vector<512x32xf32>
    %reduce_sum3A_93 = arith.constant dense<0.000000e+00> : vector<512xf32>
    %reduce_sum3A_94 = vector.multi_reduction <add>, %integer_pow3A_92, %reduce_sum3A_93 [1] : vector<512x32xf32> to vector<512xf32>
    %broadcast_in_dim3A_95 = vector.shape_cast %reduce_sum3A_94 : vector<512xf32> to vector<512x1xf32>
    %div3A_96 = arith.constant 3.200000e+01 : f32
    %div3A_97 = vector.broadcast %div3A_96 : f32 to vector<512x1xf32>
    %div3A_98 = arith.divf %broadcast_in_dim3A_95, %div3A_97 : vector<512x1xf32>
    %sub3A_99 = vector.broadcast %div3A_89 : vector<512x1xf32> to vector<512x32xf32>
    %sub3A_100 = arith.subf %add3A_77, %sub3A_99 : vector<512x32xf32>
    %add3A_101 = arith.constant 9.99999974E-6 : f32
    %add3A_102 = vector.broadcast %add3A_101 : f32 to vector<512x1xf32>
    %add3A_103 = arith.addf %div3A_98, %add3A_102 : vector<512x1xf32>
    %sqrt3A_104 = math.sqrt %add3A_103 : vector<512x1xf32>
    %div3A_105 = vector.broadcast %sqrt3A_104 : vector<512x1xf32> to vector<512x32xf32>
    %div3A_106 = arith.divf %sub3A_100, %div3A_105 : vector<512x32xf32>
    %mul3A_107 = vector.broadcast %get3A_80 : vector<1x32xf32> to vector<512x32xf32>
    %mul3A_108 = arith.mulf %div3A_106, %mul3A_107 : vector<512x32xf32>
    %add3A_109 = vector.broadcast %get3A_83 : vector<1x32xf32> to vector<512x32xf32>
    %add3A_110 = arith.addf %mul3A_108, %add3A_109 : vector<512x32xf32>
    %swap3A = arith.constant 0 : index
    %swap3A_111 = arith.constant 0 : index
    %swap3A_112 = vector.load %arg15[%swap3A, %swap3A_111] : memref<512x32xf32, #tpu.memory_space<vmem>>, vector<512x32xf32>
    tpu.vector_store %arg15[%swap3A, %swap3A_111], %add3A_110 {strides = array<i32>} : memref<512x32xf32, #tpu.memory_space<vmem>>, vector<512x32xf32>,
    %get3A_113 = arith.constant 0 : index
    %get3A_114 = arith.constant 0 : index
    %get3A_115 = vector.load %arg2[%get3A_113, %get3A_114] : memref<512x3xf32, #tpu.memory_space<vmem>>, vector<512x3xf32>
    %get3A_116 = arith.constant 0 : index
    %get3A_117 = arith.constant 0 : index
    %get3A_118 = vector.load %arg3[%get3A_116, %get3A_117] : memref<3x512xf32, #tpu.memory_space<vmem>>, vector<3x512xf32>
    %slice3A = vector.extract_strided_slice %get3A_115 {offsets = [0, 0], sizes = [512, 1], strides = [1, 1]} : vector<512x3xf32> to vector<512x1xf32>
    %slice3A_119 = vector.extract_strided_slice %get3A_118 {offsets = [0, 0], sizes = [1, 512], strides = [1, 1]} : vector<3x512xf32> to vector<1x512xf32>
    %sub3A_120 = vector.broadcast %slice3A : vector<512x1xf32> to vector<512x512xf32>
    %sub3A_121 = vector.broadcast %slice3A_119 : vector<1x512xf32> to vector<512x512xf32>
    %sub3A_122 = arith.subf %sub3A_120, %sub3A_121 : vector<512x512xf32>
    %integer_pow3A_123 = arith.mulf %sub3A_122, %sub3A_122 : vector<512x512xf32>
    %slice3A_124 = vector.extract_strided_slice %get3A_115 {offsets = [0, 1], sizes = [512, 1], strides = [1, 1]} : vector<512x3xf32> to vector<512x1xf32>
    %slice3A_125 = vector.extract_strided_slice %get3A_118 {offsets = [1, 0], sizes = [1, 512], strides = [1, 1]} : vector<3x512xf32> to vector<1x512xf32>
    %sub3A_126 = vector.broadcast %slice3A_124 : vector<512x1xf32> to vector<512x512xf32>
    %sub3A_127 = vector.broadcast %slice3A_125 : vector<1x512xf32> to vector<512x512xf32>
    %sub3A_128 = arith.subf %sub3A_126, %sub3A_127 : vector<512x512xf32>
    %integer_pow3A_129 = arith.mulf %sub3A_128, %sub3A_128 : vector<512x512xf32>
    %add3A_130 = arith.addf %integer_pow3A_123, %integer_pow3A_129 : vector<512x512xf32>
    %slice3A_131 = vector.extract_strided_slice %get3A_115 {offsets = [0, 2], sizes = [512, 1], strides = [1, 1]} : vector<512x3xf32> to vector<512x1xf32>
    %slice3A_132 = vector.extract_strided_slice %get3A_118 {offsets = [2, 0], sizes = [1, 512], strides = [1, 1]} : vector<3x512xf32> to vector<1x512xf32>
    %sub3A_133 = vector.broadcast %slice3A_131 : vector<512x1xf32> to vector<512x512xf32>
    %sub3A_134 = vector.broadcast %slice3A_132 : vector<1x512xf32> to vector<512x512xf32>
    %sub3A_135 = arith.subf %sub3A_133, %sub3A_134 : vector<512x512xf32>
    %integer_pow3A_136 = arith.mulf %sub3A_135, %sub3A_135 : vector<512x512xf32>
    %add3A_137 = arith.addf %add3A_130, %integer_pow3A_136 : vector<512x512xf32>
    %add3A_138 = arith.constant 9.99999996E-13 : f32
    %add3A_139 = vector.broadcast %add3A_138 : f32 to vector<512x512xf32>
    %add3A_140 = arith.addf %add3A_137, %add3A_139 : vector<512x512xf32>
    %sqrt3A_141 = math.sqrt %add3A_140 : vector<512x512xf32>
    %iota3A = tpu.iota {dimensions = array<i32: 0>} : vector<512x512xi32>
    %iota3A_142 = tpu.iota {dimensions = array<i32: 1>} : vector<512x512xi32>
    %eq3A = arith.cmpi eq, %iota3A, %iota3A_142 : vector<512x512xi32>
    %convert_element_type3A = arith.extui %eq3A : vector<512x512xi1> to vector<512x512xi32>
    %convert_element_type3A_143 = arith.sitofp %convert_element_type3A : vector<512x512xi32> to vector<512x512xf32>
    %mul3A_144 = arith.constant 9.999000e+02 : f32
    %mul3A_145 = vector.broadcast %mul3A_144 : f32 to vector<512x512xf32>
    %mul3A_146 = arith.mulf %convert_element_type3A_143, %mul3A_145 : vector<512x512xf32>
    %get3A_147 = arith.constant 0 : index
    %get3A_148 = arith.constant 0 : index
    %get3A_149 = vector.load %arg4[%get3A_147, %get3A_148] : memref<512x1xf32, #tpu.memory_space<vmem>>, vector<512x1xf32>
    %get3A_150 = arith.constant 0 : index
    %get3A_151 = arith.constant 0 : index
    %get3A_152 = vector.load %arg5[%get3A_150, %get3A_151] : memref<1x512xf32, #tpu.memory_space<vmem>>, vector<1x512xf32>
    %sub3A_153 = vector.broadcast %get3A_149 : vector<512x1xf32> to vector<512x512xf32>
    %sub3A_154 = vector.broadcast %get3A_152 : vector<1x512xf32> to vector<512x512xf32>
    %sub3A_155 = arith.subf %sub3A_153, %sub3A_154 : vector<512x512xf32>
    %abs3A = math.absf %sub3A_155 : vector<512x512xf32>
    %add3A_156 = arith.addf %abs3A, %mul3A_146 : vector<512x512xf32>
    %add3A_157 = arith.addf %sqrt3A_141, %mul3A_146 : vector<512x512xf32>
    %mul3A_158 = arith.constant 9.99999997E-7 : f32
    %mul3A_159 = vector.broadcast %mul3A_158 : f32 to vector<512x512xf32>
    %mul3A_160 = arith.mulf %add3A_156, %mul3A_159 : vector<512x512xf32>
    %add3A_161 = arith.addf %add3A_157, %mul3A_160 : vector<512x512xf32>
    %bitcast_convert_type3A = tpu.bitcast %add3A_161 : vector<512x512xf32> -> vector<512x512xi32>
    %broadcast_in_dim3A_162 = arith.constant 0 : i32
    %broadcast_in_dim3A_163 = vector.broadcast %broadcast_in_dim3A_162 : i32 to vector<512x1xi32>
    %broadcast_in_dim3A_164 = arith.constant 2139095040 : i32
    %broadcast_in_dim3A_165 = vector.broadcast %broadcast_in_dim3A_164 : i32 to vector<512x1xi32>
    %scan3A = arith.constant 0 : i32
    %scan3A_166 = arith.constant 31 : i32
    %scan3A_167 = arith.addi %scan3A, %scan3A_166 : i32
    %scan3A_168 = arith.constant 1 : i32
    %scan3A_169:2 = scf.for %scan3A_209 = %scan3A to %scan3A_167 step %scan3A_168 iter_args(%scan3A_210 = %broadcast_in_dim3A_163, %scan3A_211 = %broadcast_in_dim3A_165) -> (vector<512x1xi32>, vector<512x1xi32>)  : i32 {
      %sub3A_212 = arith.subi %scan3A_211, %scan3A_210 : vector<512x1xi32>
      %shift_right_logical3A = arith.constant 1 : i32
      %shift_right_logical3A_213 = vector.broadcast %shift_right_logical3A : i32 to vector<512x1xi32>
      %shift_right_logical3A_214 = arith.shrui %sub3A_212, %shift_right_logical3A_213 : vector<512x1xi32>
      %add3A_215 = arith.addi %scan3A_210, %shift_right_logical3A_214 : vector<512x1xi32>
      %le3A_216 = vector.broadcast %add3A_215 : vector<512x1xi32> to vector<512x512xi32>
      %le3A_217 = arith.cmpi sle, %bitcast_convert_type3A, %le3A_216 : vector<512x512xi32>
      %convert_element_type3A_218 = arith.extui %le3A_217 : vector<512x512xi1> to vector<512x512xi32>
      %reduce_sum3A_219 = arith.constant dense<0> : vector<512xi32>
      %reduce_sum3A_220 = vector.multi_reduction <add>, %convert_element_type3A_218, %reduce_sum3A_219 [1] : vector<512x512xi32> to vector<512xi32>
      %broadcast_in_dim3A_221 = vector.shape_cast %reduce_sum3A_220 : vector<512xi32> to vector<512x1xi32>
      %ge3A = arith.constant 64 : i32
      %ge3A_222 = vector.broadcast %ge3A : i32 to vector<512x1xi32>
      %ge3A_223 = arith.cmpi sge, %broadcast_in_dim3A_221, %ge3A_222 : vector<512x1xi32>
      %add3A_224 = arith.constant 1 : i32
      %add3A_225 = vector.broadcast %add3A_224 : i32 to vector<512x1xi32>
      %add3A_226 = arith.addi %add3A_215, %add3A_225 : vector<512x1xi32>
      %select_n3A = arith.select %ge3A_223, %scan3A_210, %add3A_226 : vector<512x1xi1>, vector<512x1xi32>
      %select_n3A_227 = arith.select %ge3A_223, %add3A_215, %scan3A_211 : vector<512x1xi1>, vector<512x1xi32>
      scf.yield %select_n3A, %select_n3A_227 : vector<512x1xi32>, vector<512x1xi32>
    }
    %lt3A = vector.broadcast %scan3A_169#1 : vector<512x1xi32> to vector<512x512xi32>
    %lt3A_170 = arith.cmpi slt, %bitcast_convert_type3A, %lt3A : vector<512x512xi32>
    %convert_element_type3A_171 = arith.extui %lt3A_170 : vector<512x512xi1> to vector<512x512xi32>
    %reduce_sum3A_172 = arith.constant dense<0> : vector<512xi32>
    %reduce_sum3A_173 = vector.multi_reduction <add>, %convert_element_type3A_171, %reduce_sum3A_172 [1] : vector<512x512xi32> to vector<512xi32>
    %broadcast_in_dim3A_174 = vector.shape_cast %reduce_sum3A_173 : vector<512xi32> to vector<512x1xi32>
    %eq3A_175 = vector.broadcast %scan3A_169#1 : vector<512x1xi32> to vector<512x512xi32>
    %eq3A_176 = arith.cmpi eq, %bitcast_convert_type3A, %eq3A_175 : vector<512x512xi32>
    %le3A = arith.cmpi sle, %iota3A, %iota3A_142 : vector<512x512xi32>
    %convert_element_type3A_177 = arith.extui %le3A : vector<512x512xi1> to vector<512x512xi32>
    %convert_element_type3A_178 = arith.sitofp %convert_element_type3A_177 : vector<512x512xi32> to vector<512x512xf32>
    %convert_element_type3A_179 = arith.extui %eq3A_176 : vector<512x512xi1> to vector<512x512xi32>
    %convert_element_type3A_180 = arith.sitofp %convert_element_type3A_179 : vector<512x512xi32> to vector<512x512xf32>
    %dot_general3A_181 = arith.constant dense<0.000000e+00> : vector<512x512xf32>
    %dot_general3A_182 = tpu.matmul %convert_element_type3A_180, %convert_element_type3A_178, %dot_general3A_181 {dimension_numbers = #tpu.dot_dimension_numbers<[1], [0], [0], [1], [0, 0, 1, 1], [], []>, transpose_lhs_hint = false} : vector<512x512xf32>, vector<512x512xf32>, vector<512x512xf32> -> vector<512x512xf32>
    %sub3A_183 = arith.constant 64 : i32
    %sub3A_184 = vector.broadcast %sub3A_183 : i32 to vector<512x1xi32>
    %sub3A_185 = arith.subi %sub3A_184, %broadcast_in_dim3A_174 : vector<512x1xi32>
    %convert_element_type3A_186 = arith.sitofp %sub3A_185 : vector<512x1xi32> to vector<512x1xf32>
    %le3A_187 = vector.broadcast %convert_element_type3A_186 : vector<512x1xf32> to vector<512x512xf32>
    %le3A_188 = arith.cmpf ole, %dot_general3A_182, %le3A_187 : vector<512x512xf32>
    %and3A = arith.andi %eq3A_176, %le3A_188 : vector<512x512xi1>
    %or3A = arith.ori %lt3A_170, %and3A : vector<512x512xi1>
    %convert_element_type3A_189 = arith.extui %or3A : vector<512x512xi1> to vector<512x512xi32>
    %convert_element_type3A_190 = arith.sitofp %convert_element_type3A_189 : vector<512x512xi32> to vector<512x512xf32>
    %dot_general3A_191 = arith.constant dense<0.000000e+00> : vector<512x512xf32>
    %dot_general3A_192 = tpu.matmul %convert_element_type3A_190, %convert_element_type3A_178, %dot_general3A_191 {dimension_numbers = #tpu.dot_dimension_numbers<[1], [0], [0], [1], [0, 0, 1, 1], [], []>, transpose_lhs_hint = false} : vector<512x512xf32>, vector<512x512xf32>, vector<512x512xf32> -> vector<512x512xf32>
    %sub3A_193 = arith.constant 1.000000e+00 : f32
    %sub3A_194 = vector.broadcast %sub3A_193 : f32 to vector<512x512xf32>
    %sub3A_195 = arith.subf %dot_general3A_192, %sub3A_194 : vector<512x512xf32>
    %convert_element_type3A_196 = arith.extui %or3A : vector<512x512xi1> to vector<512x512xi32>
    %swap3A_197 = arith.constant 0 : index
    %swap3A_198 = arith.constant 0 : index
    %swap3A_199 = vector.load %arg18[%swap3A_197, %swap3A_198] : memref<512x512xi32, #tpu.memory_space<vmem>>, vector<512x512xi32>
    tpu.vector_store %arg18[%swap3A_197, %swap3A_198], %convert_element_type3A_196 {strides = array<i32>} : memref<512x512xi32, #tpu.memory_space<vmem>>, vector<512x512xi32>,
    %convert_element_type3A_200 = arith.fptosi %sub3A_195 : vector<512x512xf32> to vector<512x512xi32>
    %swap3A_201 = arith.constant 0 : index
    %swap3A_202 = arith.constant 0 : index
    %swap3A_203 = vector.load %arg19[%swap3A_201, %swap3A_202] : memref<512x512xi32, #tpu.memory_space<vmem>>, vector<512x512xi32>
    tpu.vector_store %arg19[%swap3A_201, %swap3A_202], %convert_element_type3A_200 {strides = array<i32>} : memref<512x512xi32, #tpu.memory_space<vmem>>, vector<512x512xi32>,
    %scan3A_204 = arith.constant 0 : i32
    %scan3A_205 = arith.constant 64 : i32
    %scan3A_206 = arith.addi %scan3A_204, %scan3A_205 : i32
    %scan3A_207 = arith.constant 1 : i32
    scf.for %scan3A_209 = %scan3A_204 to %scan3A_206 step %scan3A_207  : i32 {
      %mul3A_210 = arith.constant 8 : i32
      %mul3A_211 = arith.muli %scan3A_209, %mul3A_210 : i32
      %multiple_of3A = tpu.assume_multiple %mul3A_211, 8 : i32
      %get3A_212 = arith.index_cast %multiple_of3A : i32 to index
      %get3A_213 = arith.constant 0 : index
      %get3A_214 = vector.load %arg18[%get3A_212, %get3A_213] : memref<512x512xi32, #tpu.memory_space<vmem>>, vector<8x512xi32>
      %get3A_215 = arith.index_cast %multiple_of3A : i32 to index
      %get3A_216 = arith.constant 0 : index
      %get3A_217 = vector.load %arg19[%get3A_215, %get3A_216] : memref<512x512xi32, #tpu.memory_space<vmem>>, vector<8x512xi32>
      %iota3A_218 = tpu.iota {dimensions = array<i32: 2>} : vector<8x512x64xi32>
      %iota3A_219 = tpu.iota {dimensions = array<i32: 1>} : vector<8x512x64xi32>
      %broadcast_in_dim3A_220 = vector.shape_cast %get3A_217 : vector<8x512xi32> to vector<8x512x1xi32>
      %eq3A_221 = vector.broadcast %broadcast_in_dim3A_220 : vector<8x512x1xi32> to vector<8x512x64xi32>
      %eq3A_222 = arith.cmpi eq, %eq3A_221, %iota3A_218 : vector<8x512x64xi32>
      %broadcast_in_dim3A_223 = vector.shape_cast %get3A_214 : vector<8x512xi32> to vector<8x512x1xi32>
      %gt3A = arith.constant 0 : i32
      %gt3A_224 = vector.broadcast %gt3A : i32 to vector<8x512x1xi32>
      %gt3A_225 = arith.cmpi sgt, %broadcast_in_dim3A_223, %gt3A_224 : vector<8x512x1xi32>
      %and3A_226 = vector.broadcast %gt3A_225 : vector<8x512x1xi1> to vector<8x512x64xi1>
      %and3A_227 = arith.andi %eq3A_222, %and3A_226 : vector<8x512x64xi1>
      %jit3A = arith.constant 0 : i32
      %broadcast_in_dim3A_228 = vector.broadcast %jit3A : i32 to vector<8x512x64xi32>
      %select_n3A = arith.select %and3A_227, %iota3A_219, %broadcast_in_dim3A_228 : vector<8x512x64xi1>, vector<8x512x64xi32>
      %reduce_sum3A_229 = arith.constant dense<0> : vector<8x64xi32>
      %reduce_sum3A_230 = vector.multi_reduction <add>, %select_n3A, %reduce_sum3A_229 [1] : vector<8x512x64xi32> to vector<8x64xi32>
      %swap3A_231 = arith.index_cast %multiple_of3A : i32 to index
      %swap3A_232 = arith.constant 0 : index
      %swap3A_233 = vector.load %arg16[%swap3A_231, %swap3A_232] : memref<512x64xi32, #tpu.memory_space<vmem>>, vector<8x64xi32>
      tpu.vector_store %arg16[%swap3A_231, %swap3A_232], %reduce_sum3A_230 {strides = array<i32>} : memref<512x64xi32, #tpu.memory_space<vmem>>, vector<8x64xi32>,
      %iota3A_234 = tpu.iota {dimensions = array<i32: 0>} : vector<8x64xi32>
      %add3A_235 = vector.broadcast %multiple_of3A : i32 to vector<8x64xi32>
      %add3A_236 = arith.addi %add3A_235, %iota3A_234 : vector<8x64xi32>
      %mul3A_237 = arith.constant 512 : i32
      %mul3A_238 = vector.broadcast %mul3A_237 : i32 to vector<8x64xi32>
      %mul3A_239 = arith.muli %add3A_236, %mul3A_238 : vector<8x64xi32>
      %add3A_240 = arith.addi %reduce_sum3A_230, %mul3A_239 : vector<8x64xi32>
      %swap3A_241 = arith.index_cast %multiple_of3A : i32 to index
      %swap3A_242 = arith.constant 0 : index
      %swap3A_243 = vector.load %arg17[%swap3A_241, %swap3A_242] : memref<512x64xi32, #tpu.memory_space<vmem>>, vector<8x64xi32>
      tpu.vector_store %arg17[%swap3A_241, %swap3A_242], %add3A_240 {strides = array<i32>} : memref<512x64xi32, #tpu.memory_space<vmem>>, vector<8x64xi32>,
    }
    %scan3A_208 = arith.constant 64 : i32
    return
  }
}

module attributes {stable_mosaic.version = 14 : i64} {
  func.func @_edge_body(%arg0: i32, %arg1: memref<4096x128xf32, #tpu.memory_space<vmem>>, %arg2: memref<64x64xi32, #tpu.memory_space<vmem>>, %arg3: memref<512x32xf32, #tpu.memory_space<vmem>>, %arg4: memref<512x4xf32, #tpu.memory_space<vmem>>, %arg5: memref<64x32xf32, #tpu.memory_space<vmem>>, %arg6: memref<64x4xf32, #tpu.memory_space<vmem>>, %arg7: memref<1x128xf32, #tpu.memory_space<vmem>>, %arg8: memref<1x128xf32, #tpu.memory_space<vmem>>, %arg9: memref<128x32xf32, #tpu.memory_space<vmem>>, %arg10: memref<1x32xf32, #tpu.memory_space<vmem>>, %arg11: memref<1x32xf32, #tpu.memory_space<vmem>>, %arg12: memref<1x32xf32, #tpu.memory_space<vmem>>, %arg13: memref<32x32xf32, #tpu.memory_space<vmem>>, %arg14: memref<36x32xf32, #tpu.memory_space<vmem>>, %arg15: memref<1x32xf32, #tpu.memory_space<vmem>>, %arg16: memref<1x32xf32, #tpu.memory_space<vmem>>, %arg17: memref<1x32xf32, #tpu.memory_space<vmem>>, %arg18: memref<1x32xf32, #tpu.memory_space<vmem>>, %arg19: memref<32x64xf32, #tpu.memory_space<vmem>>, %arg20: memref<32x64xf32, #tpu.memory_space<vmem>>, %arg21: memref<32x64xf32, #tpu.memory_space<vmem>>, %arg22: memref<1x64xf32, #tpu.memory_space<vmem>>, %arg23: memref<64x18xf32, #tpu.memory_space<vmem>>, %arg24: memref<1x36xf32, #tpu.memory_space<vmem>>, %arg25: memref<512x22xf32, #tpu.memory_space<vmem>>) attributes {dimension_semantics = [#tpu.dimension_semantics<arbitrary>], iteration_bounds = array<i64: 8>, scalar_prefetch = 0 : i64, scratch_operands = 0 : i64, tpu.core_type = #tpu.core_type<tc>, window_params = [{transform_indices = @transform_0, window_bounds = array<i64: 4096, 128>}, {transform_indices = @transform_1, window_bounds = array<i64: 64, 64>}, {pipeline_mode = #tpu.pipeline_mode<synchronous>, transform_indices = @transform_2, window_bounds = array<i64: 512, 32>}, {pipeline_mode = #tpu.pipeline_mode<synchronous>, transform_indices = @transform_3, window_bounds = array<i64: 512, 4>}, {transform_indices = @transform_4, window_bounds = array<i64: 64, 32>}, {transform_indices = @transform_5, window_bounds = array<i64: 64, 4>}, {pipeline_mode = #tpu.pipeline_mode<synchronous>, transform_indices = @transform_6, window_bounds = array<i64: 1, 128>}, {pipeline_mode = #tpu.pipeline_mode<synchronous>, transform_indices = @transform_7, window_bounds = array<i64: 1, 128>}, {pipeline_mode = #tpu.pipeline_mode<synchronous>, transform_indices = @transform_8, window_bounds = array<i64: 128, 32>}, {pipeline_mode = #tpu.pipeline_mode<synchronous>, transform_indices = @transform_9, window_bounds = array<i64: 1, 32>}, {pipeline_mode = #tpu.pipeline_mode<synchronous>, transform_indices = @transform_10, window_bounds = array<i64: 1, 32>}, {pipeline_mode = #tpu.pipeline_mode<synchronous>, transform_indices = @transform_11, window_bounds = array<i64: 1, 32>}, {pipeline_mode = #tpu.pipeline_mode<synchronous>, transform_indices = @transform_12, window_bounds = array<i64: 32, 32>}, {pipeline_mode = #tpu.pipeline_mode<synchronous>, transform_indices = @transform_13, window_bounds = array<i64: 36, 32>}, {pipeline_mode = #tpu.pipeline_mode<synchronous>, transform_indices = @transform_14, window_bounds = array<i64: 1, 32>}, {pipeline_mode = #tpu.pipeline_mode<synchronous>, transform_indices = @transform_15, window_bounds = array<i64: 1, 32>}, {pipeline_mode = #tpu.pipeline_mode<synchronous>, transform_indices = @transform_16, window_bounds = array<i64: 1, 32>}, {pipeline_mode = #tpu.pipeline_mode<synchronous>, transform_indices = @transform_17, window_bounds = array<i64: 1, 32>}, {pipeline_mode = #tpu.pipeline_mode<synchronous>, transform_indices = @transform_18, window_bounds = array<i64: 32, 64>}, {pipeline_mode = #tpu.pipeline_mode<synchronous>, transform_indices = @transform_19, window_bounds = array<i64: 32, 64>}, {pipeline_mode = #tpu.pipeline_mode<synchronous>, transform_indices = @transform_20, window_bounds = array<i64: 32, 64>}, {pipeline_mode = #tpu.pipeline_mode<synchronous>, transform_indices = @transform_21, window_bounds = array<i64: 1, 64>}, {pipeline_mode = #tpu.pipeline_mode<synchronous>, transform_indices = @transform_22, window_bounds = array<i64: 64, 18>}, {pipeline_mode = #tpu.pipeline_mode<synchronous>, transform_indices = @transform_23, window_bounds = array<i64: 1, 36>}, {pipeline_mode = #tpu.pipeline_mode<synchronous>, transform_indices = @transform_24, window_bounds = array<i64: 512, 22>}]} {
    %get3A = arith.constant 0 : index
    %get3A_0 = arith.constant 0 : index
    %get3A_1 = vector.load %arg1[%get3A, %get3A_0] : memref<4096x128xf32, #tpu.memory_space<vmem>>, vector<4096x128xf32>
    %get3A_2 = arith.constant 0 : index
    %get3A_3 = arith.constant 0 : index
    %get3A_4 = vector.load %arg7[%get3A_2, %get3A_3] : memref<1x128xf32, #tpu.memory_space<vmem>>, vector<1x128xf32>
    %get3A_5 = arith.constant 0 : index
    %get3A_6 = arith.constant 0 : index
    %get3A_7 = vector.load %arg8[%get3A_5, %get3A_6] : memref<1x128xf32, #tpu.memory_space<vmem>>, vector<1x128xf32>
    %reduce_sum3A = arith.constant dense<0.000000e+00> : vector<4096xf32>
    %reduce_sum3A_8 = vector.multi_reduction <add>, %get3A_1, %reduce_sum3A [1] : vector<4096x128xf32> to vector<4096xf32>
    %broadcast_in_dim3A = vector.shape_cast %reduce_sum3A_8 : vector<4096xf32> to vector<4096x1xf32>
    %div3A = arith.constant 1.280000e+02 : f32
    %div3A_9 = vector.broadcast %div3A : f32 to vector<4096x1xf32>
    %div3A_10 = arith.divf %broadcast_in_dim3A, %div3A_9 : vector<4096x1xf32>
    %sub3A = vector.broadcast %div3A_10 : vector<4096x1xf32> to vector<4096x128xf32>
    %sub3A_11 = arith.subf %get3A_1, %sub3A : vector<4096x128xf32>
    %integer_pow3A = arith.mulf %sub3A_11, %sub3A_11 : vector<4096x128xf32>
    %reduce_sum3A_12 = arith.constant dense<0.000000e+00> : vector<4096xf32>
    %reduce_sum3A_13 = vector.multi_reduction <add>, %integer_pow3A, %reduce_sum3A_12 [1] : vector<4096x128xf32> to vector<4096xf32>
    %broadcast_in_dim3A_14 = vector.shape_cast %reduce_sum3A_13 : vector<4096xf32> to vector<4096x1xf32>
    %div3A_15 = arith.constant 1.280000e+02 : f32
    %div3A_16 = vector.broadcast %div3A_15 : f32 to vector<4096x1xf32>
    %div3A_17 = arith.divf %broadcast_in_dim3A_14, %div3A_16 : vector<4096x1xf32>
    %sub3A_18 = vector.broadcast %div3A_10 : vector<4096x1xf32> to vector<4096x128xf32>
    %sub3A_19 = arith.subf %get3A_1, %sub3A_18 : vector<4096x128xf32>
    %add3A = arith.constant 9.99999974E-6 : f32
    %add3A_20 = vector.broadcast %add3A : f32 to vector<4096x1xf32>
    %add3A_21 = arith.addf %div3A_17, %add3A_20 : vector<4096x1xf32>
    %sqrt3A = math.sqrt %add3A_21 : vector<4096x1xf32>
    %div3A_22 = vector.broadcast %sqrt3A : vector<4096x1xf32> to vector<4096x128xf32>
    %div3A_23 = arith.divf %sub3A_19, %div3A_22 : vector<4096x128xf32>
    %mul3A = vector.broadcast %get3A_4 : vector<1x128xf32> to vector<4096x128xf32>
    %mul3A_24 = arith.mulf %div3A_23, %mul3A : vector<4096x128xf32>
    %add3A_25 = vector.broadcast %get3A_7 : vector<1x128xf32> to vector<4096x128xf32>
    %add3A_26 = arith.addf %mul3A_24, %add3A_25 : vector<4096x128xf32>
    %get3A_27 = arith.constant 0 : index
    %get3A_28 = arith.constant 0 : index
    %get3A_29 = vector.load %arg9[%get3A_27, %get3A_28] : memref<128x32xf32, #tpu.memory_space<vmem>>, vector<128x32xf32>
    %dot_general3A = arith.constant dense<0.000000e+00> : vector<4096x32xf32>
    %dot_general3A_30 = tpu.matmul %add3A_26, %get3A_29, %dot_general3A {dimension_numbers = #tpu.dot_dimension_numbers<[1], [0], [0], [1], [0, 0, 1, 1], [], []>, transpose_lhs_hint = false} : vector<4096x128xf32>, vector<128x32xf32>, vector<4096x32xf32> -> vector<4096x32xf32>
    %get3A_31 = arith.constant 0 : index
    %get3A_32 = arith.constant 0 : index
    %get3A_33 = vector.load %arg10[%get3A_31, %get3A_32] : memref<1x32xf32, #tpu.memory_space<vmem>>, vector<1x32xf32>
    %add3A_34 = vector.broadcast %get3A_33 : vector<1x32xf32> to vector<4096x32xf32>
    %add3A_35 = arith.addf %dot_general3A_30, %add3A_34 : vector<4096x32xf32>
    %get3A_36 = arith.constant 0 : index
    %get3A_37 = arith.constant 0 : index
    %get3A_38 = vector.load %arg11[%get3A_36, %get3A_37] : memref<1x32xf32, #tpu.memory_space<vmem>>, vector<1x32xf32>
    %get3A_39 = arith.constant 0 : index
    %get3A_40 = arith.constant 0 : index
    %get3A_41 = vector.load %arg12[%get3A_39, %get3A_40] : memref<1x32xf32, #tpu.memory_space<vmem>>, vector<1x32xf32>
    %reduce_sum3A_42 = arith.constant dense<0.000000e+00> : vector<4096xf32>
    %reduce_sum3A_43 = vector.multi_reduction <add>, %add3A_35, %reduce_sum3A_42 [1] : vector<4096x32xf32> to vector<4096xf32>
    %broadcast_in_dim3A_44 = vector.shape_cast %reduce_sum3A_43 : vector<4096xf32> to vector<4096x1xf32>
    %div3A_45 = arith.constant 3.200000e+01 : f32
    %div3A_46 = vector.broadcast %div3A_45 : f32 to vector<4096x1xf32>
    %div3A_47 = arith.divf %broadcast_in_dim3A_44, %div3A_46 : vector<4096x1xf32>
    %sub3A_48 = vector.broadcast %div3A_47 : vector<4096x1xf32> to vector<4096x32xf32>
    %sub3A_49 = arith.subf %add3A_35, %sub3A_48 : vector<4096x32xf32>
    %integer_pow3A_50 = arith.mulf %sub3A_49, %sub3A_49 : vector<4096x32xf32>
    %reduce_sum3A_51 = arith.constant dense<0.000000e+00> : vector<4096xf32>
    %reduce_sum3A_52 = vector.multi_reduction <add>, %integer_pow3A_50, %reduce_sum3A_51 [1] : vector<4096x32xf32> to vector<4096xf32>
    %broadcast_in_dim3A_53 = vector.shape_cast %reduce_sum3A_52 : vector<4096xf32> to vector<4096x1xf32>
    %div3A_54 = arith.constant 3.200000e+01 : f32
    %div3A_55 = vector.broadcast %div3A_54 : f32 to vector<4096x1xf32>
    %div3A_56 = arith.divf %broadcast_in_dim3A_53, %div3A_55 : vector<4096x1xf32>
    %sub3A_57 = vector.broadcast %div3A_47 : vector<4096x1xf32> to vector<4096x32xf32>
    %sub3A_58 = arith.subf %add3A_35, %sub3A_57 : vector<4096x32xf32>
    %add3A_59 = arith.constant 9.99999974E-6 : f32
    %add3A_60 = vector.broadcast %add3A_59 : f32 to vector<4096x1xf32>
    %add3A_61 = arith.addf %div3A_56, %add3A_60 : vector<4096x1xf32>
    %sqrt3A_62 = math.sqrt %add3A_61 : vector<4096x1xf32>
    %div3A_63 = vector.broadcast %sqrt3A_62 : vector<4096x1xf32> to vector<4096x32xf32>
    %div3A_64 = arith.divf %sub3A_58, %div3A_63 : vector<4096x32xf32>
    %mul3A_65 = vector.broadcast %get3A_38 : vector<1x32xf32> to vector<4096x32xf32>
    %mul3A_66 = arith.mulf %div3A_64, %mul3A_65 : vector<4096x32xf32>
    %add3A_67 = vector.broadcast %get3A_41 : vector<1x32xf32> to vector<4096x32xf32>
    %add3A_68 = arith.addf %mul3A_66, %add3A_67 : vector<4096x32xf32>
    %get3A_69 = arith.constant 0 : index
    %get3A_70 = arith.constant 0 : index
    %get3A_71 = vector.load %arg2[%get3A_69, %get3A_70] : memref<64x64xi32, #tpu.memory_space<vmem>>, vector<64x64xi32>
    %iota3A = tpu.iota {dimensions = array<i32: 2>} : vector<64x64x512xi32>
    %broadcast_in_dim3A_72 = vector.shape_cast %get3A_71 : vector<64x64xi32> to vector<64x64x1xi32>
    %eq3A = vector.broadcast %broadcast_in_dim3A_72 : vector<64x64x1xi32> to vector<64x64x512xi32>
    %eq3A_73 = arith.cmpi eq, %eq3A, %iota3A : vector<64x64x512xi32>
    %convert_element_type3A = arith.extui %eq3A_73 : vector<64x64x512xi1> to vector<64x64x512xi32>
    %convert_element_type3A_74 = arith.sitofp %convert_element_type3A : vector<64x64x512xi32> to vector<64x64x512xf32>
    %reshape3A = vector.shape_cast %convert_element_type3A_74 : vector<64x64x512xf32> to vector<4096x512xf32>
    %get3A_75 = arith.constant 0 : index
    %get3A_76 = arith.constant 0 : index
    %get3A_77 = vector.load %arg3[%get3A_75, %get3A_76] : memref<512x32xf32, #tpu.memory_space<vmem>>, vector<512x32xf32>
    %dot_general3A_78 = arith.constant dense<0.000000e+00> : vector<4096x32xf32>
    %dot_general3A_79 = tpu.matmul %reshape3A, %get3A_77, %dot_general3A_78 {dimension_numbers = #tpu.dot_dimension_numbers<[1], [0], [0], [1], [0, 0, 1, 1], [], []>, transpose_lhs_hint = false} : vector<4096x512xf32>, vector<512x32xf32>, vector<4096x32xf32> -> vector<4096x32xf32>
    %get3A_80 = arith.constant 0 : index
    %get3A_81 = arith.constant 0 : index
    %get3A_82 = vector.load %arg4[%get3A_80, %get3A_81] : memref<512x4xf32, #tpu.memory_space<vmem>>, vector<512x4xf32>
    %convert_element_type3A_83 = arith.truncf %get3A_82 : vector<512x4xf32> to vector<512x4xbf16>
    %convert_element_type3A_84 = arith.extf %convert_element_type3A_83 : vector<512x4xbf16> to vector<512x4xf32>
    %sub3A_85 = arith.subf %get3A_82, %convert_element_type3A_84 : vector<512x4xf32>
    %dot_general3A_86 = arith.constant dense<0.000000e+00> : vector<4096x4xf32>
    %dot_general3A_87 = tpu.matmul %reshape3A, %convert_element_type3A_84, %dot_general3A_86 {dimension_numbers = #tpu.dot_dimension_numbers<[1], [0], [0], [1], [0, 0, 1, 1], [], []>, transpose_lhs_hint = false} : vector<4096x512xf32>, vector<512x4xf32>, vector<4096x4xf32> -> vector<4096x4xf32>
    %dot_general3A_88 = arith.constant dense<0.000000e+00> : vector<4096x4xf32>
    %dot_general3A_89 = tpu.matmul %reshape3A, %sub3A_85, %dot_general3A_88 {dimension_numbers = #tpu.dot_dimension_numbers<[1], [0], [0], [1], [0, 0, 1, 1], [], []>, transpose_lhs_hint = false} : vector<4096x512xf32>, vector<512x4xf32>, vector<4096x4xf32> -> vector<4096x4xf32>
    %add3A_90 = arith.addf %dot_general3A_87, %dot_general3A_89 : vector<4096x4xf32>
    %slice3A = vector.extract_strided_slice %add3A_90 {offsets = [0, 0], sizes = [4096, 3], strides = [1, 1]} : vector<4096x4xf32> to vector<4096x3xf32>
    %slice3A_91 = vector.extract_strided_slice %add3A_90 {offsets = [0, 3], sizes = [4096, 1], strides = [1, 1]} : vector<4096x4xf32> to vector<4096x1xf32>
    %get3A_92 = arith.constant 0 : index
    %get3A_93 = arith.constant 0 : index
    %get3A_94 = vector.load %arg5[%get3A_92, %get3A_93] : memref<64x32xf32, #tpu.memory_space<vmem>>, vector<64x32xf32>
    %broadcast_in_dim3A_95 = vector.shape_cast %get3A_94 : vector<64x32xf32> to vector<64x1x32xf32>
    %broadcast_in_dim3A_96 = vector.shape_cast %broadcast_in_dim3A_95 : vector<64x1x32xf32> to vector<64x1x32xf32>
    %broadcast_in_dim3A_97 = vector.broadcast %broadcast_in_dim3A_96 : vector<64x1x32xf32> to vector<64x64x32xf32>
    %reshape3A_98 = vector.shape_cast %broadcast_in_dim3A_97 : vector<64x64x32xf32> to vector<4096x32xf32>
    %get3A_99 = arith.constant 0 : index
    %get3A_100 = arith.constant 0 : index
    %get3A_101 = vector.load %arg6[%get3A_99, %get3A_100] : memref<64x4xf32, #tpu.memory_space<vmem>>, vector<64x4xf32>
    %broadcast_in_dim3A_102 = vector.shape_cast %get3A_101 : vector<64x4xf32> to vector<64x1x4xf32>
    %broadcast_in_dim3A_103 = vector.shape_cast %broadcast_in_dim3A_102 : vector<64x1x4xf32> to vector<64x1x4xf32>
    %broadcast_in_dim3A_104 = vector.broadcast %broadcast_in_dim3A_103 : vector<64x1x4xf32> to vector<64x64x4xf32>
    %reshape3A_105 = vector.shape_cast %broadcast_in_dim3A_104 : vector<64x64x4xf32> to vector<4096x4xf32>
    %slice3A_106 = vector.extract_strided_slice %reshape3A_105 {offsets = [0, 0], sizes = [4096, 3], strides = [1, 1]} : vector<4096x4xf32> to vector<4096x3xf32>
    %sub3A_107 = arith.subf %slice3A_106, %slice3A : vector<4096x3xf32>
    %mul3A_108 = arith.mulf %sub3A_107, %sub3A_107 : vector<4096x3xf32>
    %reduce_sum3A_109 = arith.constant dense<0.000000e+00> : vector<4096xf32>
    %reduce_sum3A_110 = vector.multi_reduction <add>, %mul3A_108, %reduce_sum3A_109 [1] : vector<4096x3xf32> to vector<4096xf32>
    %broadcast_in_dim3A_111 = vector.shape_cast %reduce_sum3A_110 : vector<4096xf32> to vector<4096x1xf32>
    %add3A_112 = arith.constant 9.99999996E-13 : f32
    %add3A_113 = vector.broadcast %add3A_112 : f32 to vector<4096x1xf32>
    %add3A_114 = arith.addf %broadcast_in_dim3A_111, %add3A_113 : vector<4096x1xf32>
    %sqrt3A_115 = math.sqrt %add3A_114 : vector<4096x1xf32>
    %get3A_116 = arith.constant 0 : index
    %get3A_117 = arith.constant 0 : index
    %get3A_118 = vector.load %arg24[%get3A_116, %get3A_117] : memref<1x36xf32, #tpu.memory_space<vmem>>, vector<1x36xf32>
    %sub3A_119 = vector.broadcast %sqrt3A_115 : vector<4096x1xf32> to vector<4096x36xf32>
    %sub3A_120 = vector.broadcast %get3A_118 : vector<1x36xf32> to vector<4096x36xf32>
    %sub3A_121 = arith.subf %sub3A_119, %sub3A_120 : vector<4096x36xf32>
    %div3A_122 = arith.constant 0.555555582 : f32
    %div3A_123 = vector.broadcast %div3A_122 : f32 to vector<4096x36xf32>
    %div3A_124 = arith.divf %sub3A_121, %div3A_123 : vector<4096x36xf32>
    %integer_pow3A_125 = arith.mulf %div3A_124, %div3A_124 : vector<4096x36xf32>
    %neg3A = arith.constant 0.000000e+00 : f32
    %neg3A_126 = vector.broadcast %neg3A : f32 to vector<4096x36xf32>
    %neg3A_127 = arith.subf %neg3A_126, %integer_pow3A_125 : vector<4096x36xf32>
    %exp3A = math.exp %neg3A_127 : vector<4096x36xf32>
    %slice3A_128 = vector.extract_strided_slice %reshape3A_105 {offsets = [0, 3], sizes = [4096, 1], strides = [1, 1]} : vector<4096x4xf32> to vector<4096x1xf32>
    %sub3A_129 = arith.subf %slice3A_91, %slice3A_128 : vector<4096x1xf32>
    %abs3A = math.absf %sub3A_129 : vector<4096x1xf32>
    %sign3A = tpu.bitcast %sub3A_129 : vector<4096x1xf32> -> vector<4096x1xi32>
    %sign3A_130 = arith.constant -2147483648 : i32
    %sign3A_131 = vector.broadcast %sign3A_130 : i32 to vector<4096x1xi32>
    %sign3A_132 = arith.andi %sign3A, %sign3A_131 : vector<4096x1xi32>
    %sign3A_133 = arith.constant 1065353216 : i32
    %sign3A_134 = vector.broadcast %sign3A_133 : i32 to vector<4096x1xi32>
    %sign3A_135 = arith.ori %sign3A_134, %sign3A_132 : vector<4096x1xi32>
    %sign3A_136 = tpu.bitcast %sign3A_135 : vector<4096x1xi32> -> vector<4096x1xf32>
    %sign3A_137 = math.absf %sub3A_129 : vector<4096x1xf32>
    %sign3A_138 = arith.constant 0.000000e+00 : f32
    %sign3A_139 = vector.broadcast %sign3A_138 : f32 to vector<4096x1xf32>
    %sign3A_140 = arith.cmpf ogt, %sign3A_137, %sign3A_139 : vector<4096x1xf32>
    %sign3A_141 = arith.select %sign3A_140, %sign3A_136, %sub3A_129 : vector<4096x1xi1>, vector<4096x1xf32>
    %gt3A = arith.constant 1.000000e+00 : f32
    %gt3A_142 = vector.broadcast %gt3A : f32 to vector<4096x1xf32>
    %gt3A_143 = arith.cmpf ogt, %abs3A, %gt3A_142 : vector<4096x1xf32>
    %jit3A = arith.constant 0.000000e+00 : f32
    %broadcast_in_dim3A_144 = vector.broadcast %jit3A : f32 to vector<4096x1xf32>
    %select_n3A = arith.select %gt3A_143, %broadcast_in_dim3A_144, %abs3A : vector<4096x1xi1>, vector<4096x1xf32>
    %mul3A_145 = arith.mulf %sign3A_141, %select_n3A : vector<4096x1xf32>
    %get3A_146 = arith.constant 0 : index
    %get3A_147 = arith.constant 0 : index
    %get3A_148 = vector.load %arg13[%get3A_146, %get3A_147] : memref<32x32xf32, #tpu.memory_space<vmem>>, vector<32x32xf32>
    %dot_general3A_149 = arith.constant dense<0.000000e+00> : vector<4096x32xf32>
    %dot_general3A_150 = tpu.matmul %add3A_68, %get3A_148, %dot_general3A_149 {dimension_numbers = #tpu.dot_dimension_numbers<[1], [0], [0], [1], [0, 0, 1, 1], [], []>, transpose_lhs_hint = false} : vector<4096x32xf32>, vector<32x32xf32>, vector<4096x32xf32> -> vector<4096x32xf32>
    %get3A_151 = arith.constant 0 : index
    %get3A_152 = arith.constant 0 : index
    %get3A_153 = vector.load %arg14[%get3A_151, %get3A_152] : memref<36x32xf32, #tpu.memory_space<vmem>>, vector<36x32xf32>
    %dot_general3A_154 = arith.constant dense<0.000000e+00> : vector<4096x32xf32>
    %dot_general3A_155 = tpu.matmul %exp3A, %get3A_153, %dot_general3A_154 {dimension_numbers = #tpu.dot_dimension_numbers<[1], [0], [0], [1], [0, 0, 1, 1], [], []>, transpose_lhs_hint = false} : vector<4096x36xf32>, vector<36x32xf32>, vector<4096x32xf32> -> vector<4096x32xf32>
    %add3A_156 = arith.addf %dot_general3A_150, %dot_general3A_155 : vector<4096x32xf32>
    %get3A_157 = arith.constant 0 : index
    %get3A_158 = arith.constant 0 : index
    %get3A_159 = vector.load %arg15[%get3A_157, %get3A_158] : memref<1x32xf32, #tpu.memory_space<vmem>>, vector<1x32xf32>
    %mul3A_160 = vector.broadcast %mul3A_145 : vector<4096x1xf32> to vector<4096x32xf32>
    %mul3A_161 = vector.broadcast %get3A_159 : vector<1x32xf32> to vector<4096x32xf32>
    %mul3A_162 = arith.mulf %mul3A_160, %mul3A_161 : vector<4096x32xf32>
    %add3A_163 = arith.addf %add3A_156, %mul3A_162 : vector<4096x32xf32>
    %get3A_164 = arith.constant 0 : index
    %get3A_165 = arith.constant 0 : index
    %get3A_166 = vector.load %arg16[%get3A_164, %get3A_165] : memref<1x32xf32, #tpu.memory_space<vmem>>, vector<1x32xf32>
    %add3A_167 = vector.broadcast %get3A_166 : vector<1x32xf32> to vector<4096x32xf32>
    %add3A_168 = arith.addf %add3A_163, %add3A_167 : vector<4096x32xf32>
    %get3A_169 = arith.constant 0 : index
    %get3A_170 = arith.constant 0 : index
    %get3A_171 = vector.load %arg17[%get3A_169, %get3A_170] : memref<1x32xf32, #tpu.memory_space<vmem>>, vector<1x32xf32>
    %get3A_172 = arith.constant 0 : index
    %get3A_173 = arith.constant 0 : index
    %get3A_174 = vector.load %arg18[%get3A_172, %get3A_173] : memref<1x32xf32, #tpu.memory_space<vmem>>, vector<1x32xf32>
    %reduce_sum3A_175 = arith.constant dense<0.000000e+00> : vector<4096xf32>
    %reduce_sum3A_176 = vector.multi_reduction <add>, %add3A_168, %reduce_sum3A_175 [1] : vector<4096x32xf32> to vector<4096xf32>
    %broadcast_in_dim3A_177 = vector.shape_cast %reduce_sum3A_176 : vector<4096xf32> to vector<4096x1xf32>
    %div3A_178 = arith.constant 3.200000e+01 : f32
    %div3A_179 = vector.broadcast %div3A_178 : f32 to vector<4096x1xf32>
    %div3A_180 = arith.divf %broadcast_in_dim3A_177, %div3A_179 : vector<4096x1xf32>
    %sub3A_181 = vector.broadcast %div3A_180 : vector<4096x1xf32> to vector<4096x32xf32>
    %sub3A_182 = arith.subf %add3A_168, %sub3A_181 : vector<4096x32xf32>
    %integer_pow3A_183 = arith.mulf %sub3A_182, %sub3A_182 : vector<4096x32xf32>
    %reduce_sum3A_184 = arith.constant dense<0.000000e+00> : vector<4096xf32>
    %reduce_sum3A_185 = vector.multi_reduction <add>, %integer_pow3A_183, %reduce_sum3A_184 [1] : vector<4096x32xf32> to vector<4096xf32>
    %broadcast_in_dim3A_186 = vector.shape_cast %reduce_sum3A_185 : vector<4096xf32> to vector<4096x1xf32>
    %div3A_187 = arith.constant 3.200000e+01 : f32
    %div3A_188 = vector.broadcast %div3A_187 : f32 to vector<4096x1xf32>
    %div3A_189 = arith.divf %broadcast_in_dim3A_186, %div3A_188 : vector<4096x1xf32>
    %sub3A_190 = vector.broadcast %div3A_180 : vector<4096x1xf32> to vector<4096x32xf32>
    %sub3A_191 = arith.subf %add3A_168, %sub3A_190 : vector<4096x32xf32>
    %add3A_192 = arith.constant 9.99999974E-6 : f32
    %add3A_193 = vector.broadcast %add3A_192 : f32 to vector<4096x1xf32>
    %add3A_194 = arith.addf %div3A_189, %add3A_193 : vector<4096x1xf32>
    %sqrt3A_195 = math.sqrt %add3A_194 : vector<4096x1xf32>
    %div3A_196 = vector.broadcast %sqrt3A_195 : vector<4096x1xf32> to vector<4096x32xf32>
    %div3A_197 = arith.divf %sub3A_191, %div3A_196 : vector<4096x32xf32>
    %mul3A_198 = vector.broadcast %get3A_171 : vector<1x32xf32> to vector<4096x32xf32>
    %mul3A_199 = arith.mulf %div3A_197, %mul3A_198 : vector<4096x32xf32>
    %add3A_200 = vector.broadcast %get3A_174 : vector<1x32xf32> to vector<4096x32xf32>
    %add3A_201 = arith.addf %mul3A_199, %add3A_200 : vector<4096x32xf32>
    %get3A_202 = arith.constant 0 : index
    %get3A_203 = arith.constant 0 : index
    %get3A_204 = vector.load %arg19[%get3A_202, %get3A_203] : memref<32x64xf32, #tpu.memory_space<vmem>>, vector<32x64xf32>
    %dot_general3A_205 = arith.constant dense<0.000000e+00> : vector<4096x64xf32>
    %dot_general3A_206 = tpu.matmul %reshape3A_98, %get3A_204, %dot_general3A_205 {dimension_numbers = #tpu.dot_dimension_numbers<[1], [0], [0], [1], [0, 0, 1, 1], [], []>, transpose_lhs_hint = false} : vector<4096x32xf32>, vector<32x64xf32>, vector<4096x64xf32> -> vector<4096x64xf32>
    %get3A_207 = arith.constant 0 : index
    %get3A_208 = arith.constant 0 : index
    %get3A_209 = vector.load %arg20[%get3A_207, %get3A_208] : memref<32x64xf32, #tpu.memory_space<vmem>>, vector<32x64xf32>
    %dot_general3A_210 = arith.constant dense<0.000000e+00> : vector<4096x64xf32>
    %dot_general3A_211 = tpu.matmul %dot_general3A_79, %get3A_209, %dot_general3A_210 {dimension_numbers = #tpu.dot_dimension_numbers<[1], [0], [0], [1], [0, 0, 1, 1], [], []>, transpose_lhs_hint = false} : vector<4096x32xf32>, vector<32x64xf32>, vector<4096x64xf32> -> vector<4096x64xf32>
    %add3A_212 = arith.addf %dot_general3A_206, %dot_general3A_211 : vector<4096x64xf32>
    %get3A_213 = arith.constant 0 : index
    %get3A_214 = arith.constant 0 : index
    %get3A_215 = vector.load %arg21[%get3A_213, %get3A_214] : memref<32x64xf32, #tpu.memory_space<vmem>>, vector<32x64xf32>
    %dot_general3A_216 = arith.constant dense<0.000000e+00> : vector<4096x64xf32>
    %dot_general3A_217 = tpu.matmul %add3A_201, %get3A_215, %dot_general3A_216 {dimension_numbers = #tpu.dot_dimension_numbers<[1], [0], [0], [1], [0, 0, 1, 1], [], []>, transpose_lhs_hint = false} : vector<4096x32xf32>, vector<32x64xf32>, vector<4096x64xf32> -> vector<4096x64xf32>
    %add3A_218 = arith.addf %add3A_212, %dot_general3A_217 : vector<4096x64xf32>
    %get3A_219 = arith.constant 0 : index
    %get3A_220 = arith.constant 0 : index
    %get3A_221 = vector.load %arg22[%get3A_219, %get3A_220] : memref<1x64xf32, #tpu.memory_space<vmem>>, vector<1x64xf32>
    %add3A_222 = vector.broadcast %get3A_221 : vector<1x64xf32> to vector<4096x64xf32>
    %add3A_223 = arith.addf %add3A_218, %add3A_222 : vector<4096x64xf32>
    %max3A = arith.constant 0.000000e+00 : f32
    %max3A_224 = vector.broadcast %max3A : f32 to vector<4096x64xf32>
    %max3A_225 = arith.maximumf %add3A_223, %max3A_224 : vector<4096x64xf32>
    %get3A_226 = arith.constant 0 : index
    %get3A_227 = arith.constant 0 : index
    %get3A_228 = vector.load %arg23[%get3A_226, %get3A_227] : memref<64x18xf32, #tpu.memory_space<vmem>>, vector<64x18xf32>
    %dot_general3A_229 = arith.constant dense<0.000000e+00> : vector<4096x18xf32>
    %dot_general3A_230 = tpu.matmul %max3A_225, %get3A_228, %dot_general3A_229 {dimension_numbers = #tpu.dot_dimension_numbers<[1], [0], [0], [1], [0, 0, 1, 1], [], []>, transpose_lhs_hint = false} : vector<4096x64xf32>, vector<64x18xf32>, vector<4096x18xf32> -> vector<4096x18xf32>
    %slice3A_231 = vector.extract_strided_slice %dot_general3A_230 {offsets = [0, 16], sizes = [4096, 2], strides = [1, 1]} : vector<4096x18xf32> to vector<4096x2xf32>
    %slice3A_232 = vector.extract_strided_slice %dot_general3A_230 {offsets = [0, 0], sizes = [4096, 16], strides = [1, 1]} : vector<4096x18xf32> to vector<4096x16xf32>
    %slice3A_233 = vector.extract_strided_slice %slice3A_231 {offsets = [0, 0], sizes = [4096, 1], strides = [1, 1]} : vector<4096x2xf32> to vector<4096x1xf32>
    %mul3A_234 = vector.broadcast %slice3A_233 : vector<4096x1xf32> to vector<4096x3xf32>
    %mul3A_235 = arith.mulf %mul3A_234, %sub3A_107 : vector<4096x3xf32>
    %slice3A_236 = vector.extract_strided_slice %slice3A_231 {offsets = [0, 1], sizes = [4096, 1], strides = [1, 1]} : vector<4096x2xf32> to vector<4096x1xf32>
    %mul3A_237 = vector.broadcast %slice3A_236 : vector<4096x1xf32> to vector<4096x3xf32>
    %mul3A_238 = arith.mulf %mul3A_237, %sub3A_107 : vector<4096x3xf32>
    %concatenate3A = tpu.concatenate %slice3A_232, %mul3A_235, %mul3A_238 in 1 : vector<4096x16xf32>, vector<4096x3xf32>, vector<4096x3xf32> -> vector<4096x22xf32>
    %convert_element_type3A_239 = arith.truncf %concatenate3A : vector<4096x22xf32> to vector<4096x22xbf16>
    %convert_element_type3A_240 = arith.extf %convert_element_type3A_239 : vector<4096x22xbf16> to vector<4096x22xf32>
    %sub3A_241 = arith.subf %concatenate3A, %convert_element_type3A_240 : vector<4096x22xf32>
    %dot_general3A_242 = arith.constant dense<0.000000e+00> : vector<512x22xf32>
    %dot_general3A_243 = tpu.matmul %reshape3A, %convert_element_type3A_240, %dot_general3A_242 {dimension_numbers = #tpu.dot_dimension_numbers<[0], [0], [1], [1], [0, 1, 1, 1], [], []>, transpose_lhs_hint = false} : vector<4096x512xf32>, vector<4096x22xf32>, vector<512x22xf32> -> vector<512x22xf32>
    %dot_general3A_244 = arith.constant dense<0.000000e+00> : vector<512x22xf32>
    %dot_general3A_245 = tpu.matmul %reshape3A, %sub3A_241, %dot_general3A_244 {dimension_numbers = #tpu.dot_dimension_numbers<[0], [0], [1], [1], [0, 1, 1, 1], [], []>, transpose_lhs_hint = false} : vector<4096x512xf32>, vector<4096x22xf32>, vector<512x22xf32> -> vector<512x22xf32>
    %add3A_246 = arith.addf %dot_general3A_243, %dot_general3A_245 : vector<512x22xf32>
    %eq3A_247 = arith.constant 0 : i32
    %eq3A_248 = arith.cmpi eq, %arg0, %eq3A_247 : i32
    %convert_element_type3A_249 = arith.extui %eq3A_248 : i1 to i32
    %cond3A = arith.constant 0 : i32
    %cond3A_250 = arith.cmpi ne, %convert_element_type3A_249, %cond3A : i32
    scf.if %cond3A_250 {
      %swap3A = arith.constant 0 : index
      %swap3A_256 = arith.constant 0 : index
      %swap3A_257 = vector.load %arg25[%swap3A, %swap3A_256] : memref<512x22xf32, #tpu.memory_space<vmem>>, vector<512x22xf32>
      tpu.vector_store %arg25[%swap3A, %swap3A_256], %add3A_246 {strides = array<i32>} : memref<512x22xf32, #tpu.memory_space<vmem>>, vector<512x22xf32>,
    } else {
    }
    %gt3A_251 = arith.constant 0 : i32
    %gt3A_252 = arith.cmpi sgt, %arg0, %gt3A_251 : i32
    %convert_element_type3A_253 = arith.extui %gt3A_252 : i1 to i32
    %cond3A_254 = arith.constant 0 : i32
    %cond3A_255 = arith.cmpi ne, %convert_element_type3A_253, %cond3A_254 : i32
    scf.if %cond3A_255 {
      %get3A_256 = arith.constant 0 : index
      %get3A_257 = arith.constant 0 : index
      %get3A_258 = vector.load %arg25[%get3A_256, %get3A_257] : memref<512x22xf32, #tpu.memory_space<vmem>>, vector<512x22xf32>
      %add3A_259 = arith.addf %get3A_258, %add3A_246 : vector<512x22xf32>
      %swap3A = arith.constant 0 : index
      %swap3A_260 = arith.constant 0 : index
      %swap3A_261 = vector.load %arg25[%swap3A, %swap3A_260] : memref<512x22xf32, #tpu.memory_space<vmem>>, vector<512x22xf32>
      tpu.vector_store %arg25[%swap3A, %swap3A_260], %add3A_259 {strides = array<i32>} : memref<512x22xf32, #tpu.memory_space<vmem>>, vector<512x22xf32>,
    } else {
    }
    return
  }
  func.func @transform_0(%arg0: i32) -> (i32, i32) {
    %c0_i32 = arith.constant 0 : i32
    %c0_i32_0 = arith.constant 0 : i32
    return %arg0, %c0_i32 : i32, i32
  }
  func.func @transform_1(%arg0: i32) -> (i32, i32) {
    %c0_i32 = arith.constant 0 : i32
    %c0_i32_0 = arith.constant 0 : i32
    return %arg0, %c0_i32 : i32, i32
  }
  func.func @transform_2(%arg0: i32) -> (i32, i32) {
    %c0_i32 = arith.constant 0 : i32
    %c0_i32_0 = arith.constant 0 : i32
    %c0_i32_1 = arith.constant 0 : i32
    return %c0_i32, %c0_i32_0 : i32, i32
  }
  func.func @transform_3(%arg0: i32) -> (i32, i32) {
    %c0_i32 = arith.constant 0 : i32
    %c0_i32_0 = arith.constant 0 : i32
    %c0_i32_1 = arith.constant 0 : i32
    return %c0_i32, %c0_i32_0 : i32, i32
  }
  func.func @transform_4(%arg0: i32) -> (i32, i32) {
    %c0_i32 = arith.constant 0 : i32
    %c0_i32_0 = arith.constant 0 : i32
    return %arg0, %c0_i32 : i32, i32
  }
  func.func @transform_5(%arg0: i32) -> (i32, i32) {
    %c0_i32 = arith.constant 0 : i32
    %c0_i32_0 = arith.constant 0 : i32
    return %arg0, %c0_i32 : i32, i32
  }
  func.func @transform_6(%arg0: i32) -> (i32, i32) {
    %c0_i32 = arith.constant 0 : i32
    %c0_i32_0 = arith.constant 0 : i32
    %c0_i32_1 = arith.constant 0 : i32
    return %c0_i32, %c0_i32_0 : i32, i32
  }
  func.func @transform_7(%arg0: i32) -> (i32, i32) {
    %c0_i32 = arith.constant 0 : i32
    %c0_i32_0 = arith.constant 0 : i32
    %c0_i32_1 = arith.constant 0 : i32
    return %c0_i32, %c0_i32_0 : i32, i32
  }
  func.func @transform_8(%arg0: i32) -> (i32, i32) {
    %c0_i32 = arith.constant 0 : i32
    %c0_i32_0 = arith.constant 0 : i32
    %c0_i32_1 = arith.constant 0 : i32
    return %c0_i32, %c0_i32_0 : i32, i32
  }
  func.func @transform_9(%arg0: i32) -> (i32, i32) {
    %c0_i32 = arith.constant 0 : i32
    %c0_i32_0 = arith.constant 0 : i32
    %c0_i32_1 = arith.constant 0 : i32
    return %c0_i32, %c0_i32_0 : i32, i32
  }
  func.func @transform_10(%arg0: i32) -> (i32, i32) {
    %c0_i32 = arith.constant 0 : i32
    %c0_i32_0 = arith.constant 0 : i32
    %c0_i32_1 = arith.constant 0 : i32
    return %c0_i32, %c0_i32_0 : i32, i32
  }
  func.func @transform_11(%arg0: i32) -> (i32, i32) {
    %c0_i32 = arith.constant 0 : i32
    %c0_i32_0 = arith.constant 0 : i32
    %c0_i32_1 = arith.constant 0 : i32
    return %c0_i32, %c0_i32_0 : i32, i32
  }
  func.func @transform_12(%arg0: i32) -> (i32, i32) {
    %c0_i32 = arith.constant 0 : i32
    %c0_i32_0 = arith.constant 0 : i32
    %c0_i32_1 = arith.constant 0 : i32
    return %c0_i32, %c0_i32_0 : i32, i32
  }
  func.func @transform_13(%arg0: i32) -> (i32, i32) {
    %c0_i32 = arith.constant 0 : i32
    %c0_i32_0 = arith.constant 0 : i32
    %c0_i32_1 = arith.constant 0 : i32
    return %c0_i32, %c0_i32_0 : i32, i32
  }
  func.func @transform_14(%arg0: i32) -> (i32, i32) {
    %c0_i32 = arith.constant 0 : i32
    %c0_i32_0 = arith.constant 0 : i32
    %c0_i32_1 = arith.constant 0 : i32
    return %c0_i32, %c0_i32_0 : i32, i32
  }
  func.func @transform_15(%arg0: i32) -> (i32, i32) {
    %c0_i32 = arith.constant 0 : i32
    %c0_i32_0 = arith.constant 0 : i32
    %c0_i32_1 = arith.constant 0 : i32
    return %c0_i32, %c0_i32_0 : i32, i32
  }
  func.func @transform_16(%arg0: i32) -> (i32, i32) {
    %c0_i32 = arith.constant 0 : i32
    %c0_i32_0 = arith.constant 0 : i32
    %c0_i32_1 = arith.constant 0 : i32
    return %c0_i32, %c0_i32_0 : i32, i32
  }
  func.func @transform_17(%arg0: i32) -> (i32, i32) {
    %c0_i32 = arith.constant 0 : i32
    %c0_i32_0 = arith.constant 0 : i32
    %c0_i32_1 = arith.constant 0 : i32
    return %c0_i32, %c0_i32_0 : i32, i32
  }
  func.func @transform_18(%arg0: i32) -> (i32, i32) {
    %c0_i32 = arith.constant 0 : i32
    %c0_i32_0 = arith.constant 0 : i32
    %c0_i32_1 = arith.constant 0 : i32
    return %c0_i32, %c0_i32_0 : i32, i32
  }
  func.func @transform_19(%arg0: i32) -> (i32, i32) {
    %c0_i32 = arith.constant 0 : i32
    %c0_i32_0 = arith.constant 0 : i32
    %c0_i32_1 = arith.constant 0 : i32
    return %c0_i32, %c0_i32_0 : i32, i32
  }
  func.func @transform_20(%arg0: i32) -> (i32, i32) {
    %c0_i32 = arith.constant 0 : i32
    %c0_i32_0 = arith.constant 0 : i32
    %c0_i32_1 = arith.constant 0 : i32
    return %c0_i32, %c0_i32_0 : i32, i32
  }
  func.func @transform_21(%arg0: i32) -> (i32, i32) {
    %c0_i32 = arith.constant 0 : i32
    %c0_i32_0 = arith.constant 0 : i32
    %c0_i32_1 = arith.constant 0 : i32
    return %c0_i32, %c0_i32_0 : i32, i32
  }
  func.func @transform_22(%arg0: i32) -> (i32, i32) {
    %c0_i32 = arith.constant 0 : i32
    %c0_i32_0 = arith.constant 0 : i32
    %c0_i32_1 = arith.constant 0 : i32
    return %c0_i32, %c0_i32_0 : i32, i32
  }
  func.func @transform_23(%arg0: i32) -> (i32, i32) {
    %c0_i32 = arith.constant 0 : i32
    %c0_i32_0 = arith.constant 0 : i32
    %c0_i32_1 = arith.constant 0 : i32
    return %c0_i32, %c0_i32_0 : i32, i32
  }
  func.func @transform_24(%arg0: i32) -> (i32, i32) {
    %c0_i32 = arith.constant 0 : i32
    %c0_i32_0 = arith.constant 0 : i32
    %c0_i32_1 = arith.constant 0 : i32
    return %c0_i32, %c0_i32_0 : i32, i32
  }
}

module attributes {stable_mosaic.version = 14 : i64} {
  func.func @_final_body(%arg0: memref<512x16xf32, #tpu.memory_space<vmem>>, %arg1: memref<512x6xf32, #tpu.memory_space<vmem>>, %arg2: memref<512x9xf32, #tpu.memory_space<vmem>>, %arg3: memref<512x9xf32, #tpu.memory_space<vmem>>, %arg4: memref<512x3xf32, #tpu.memory_space<vmem>>, %arg5: memref<512x1xf32, #tpu.memory_space<vmem>>, %arg6: memref<512x256xf32, #tpu.memory_space<vmem>>, %arg7: memref<1x6xf32, #tpu.memory_space<vmem>>, %arg8: memref<1x256xf32, #tpu.memory_space<vmem>>, %arg9: memref<1x256xf32, #tpu.memory_space<vmem>>, %arg10: memref<1x16xf32, #tpu.memory_space<vmem>>, %arg11: memref<1x16xf32, #tpu.memory_space<vmem>>, %arg12: memref<256x128xf32, #tpu.memory_space<vmem>>, %arg13: memref<1x128xf32, #tpu.memory_space<vmem>>, %arg14: memref<16x128xf32, #tpu.memory_space<vmem>>, %arg15: memref<1x128xf32, #tpu.memory_space<vmem>>, %arg16: memref<128x128xf32, #tpu.memory_space<vmem>>, %arg17: memref<1x128xf32, #tpu.memory_space<vmem>>, %arg18: memref<128x128xf32, #tpu.memory_space<vmem>>, %arg19: memref<1x128xf32, #tpu.memory_space<vmem>>, %arg20: memref<128x128xf32, #tpu.memory_space<vmem>>, %arg21: memref<1x128xf32, #tpu.memory_space<vmem>>, %arg22: memref<128x128xf32, #tpu.memory_space<vmem>>, %arg23: memref<1x128xf32, #tpu.memory_space<vmem>>, %arg24: memref<128x20xf32, #tpu.memory_space<vmem>>, %arg25: memref<1x20xf32, #tpu.memory_space<vmem>>, %arg26: memref<512x9xf32, #tpu.memory_space<vmem>>, %arg27: memref<512x3xf32, #tpu.memory_space<vmem>>, %arg28: memref<512x16xf32, #tpu.memory_space<vmem>>, %arg29: memref<512x20xf32, #tpu.memory_space<vmem>>) attributes {dimension_semantics = [], scalar_prefetch = 0 : i64, scratch_operands = 0 : i64, tpu.core_type = #tpu.core_type<tc>} {
    %get3A = arith.constant 0 : index
    %get3A_0 = arith.constant 0 : index
    %get3A_1 = vector.load %arg0[%get3A, %get3A_0] : memref<512x16xf32, #tpu.memory_space<vmem>>, vector<512x16xf32>
    %get3A_2 = arith.constant 0 : index
    %get3A_3 = arith.constant 0 : index
    %get3A_4 = vector.load %arg1[%get3A_2, %get3A_3] : memref<512x6xf32, #tpu.memory_space<vmem>>, vector<512x6xf32>
    %broadcast_in_dim3A = arith.constant 0.000000e+00 : f32
    %broadcast_in_dim3A_5 = vector.broadcast %broadcast_in_dim3A : f32 to vector<512x1xf32>
    %get3A_6 = arith.constant 0 : index
    %get3A_7 = arith.constant 0 : index
    %get3A_8 = vector.load %arg2[%get3A_6, %get3A_7] : memref<512x9xf32, #tpu.memory_space<vmem>>, vector<512x1xf32>
    %get3A_9 = arith.constant 0 : index
    %get3A_10 = arith.constant 3 : index
    %get3A_11 = vector.load %arg2[%get3A_9, %get3A_10] : memref<512x9xf32, #tpu.memory_space<vmem>>, vector<512x1xf32>
    %sub3A = arith.subf %get3A_8, %get3A_11 : vector<512x1xf32>
    %get3A_12 = arith.constant 0 : index
    %get3A_13 = arith.constant 0 : index
    %get3A_14 = vector.load %arg7[%get3A_12, %get3A_13] : memref<1x6xf32, #tpu.memory_space<vmem>>, vector<1x1xf32>
    %mul3A = vector.broadcast %get3A_14 : vector<1x1xf32> to vector<512x1xf32>
    %mul3A_15 = arith.mulf %sub3A, %mul3A : vector<512x1xf32>
    %add3A = arith.addf %broadcast_in_dim3A_5, %mul3A_15 : vector<512x1xf32>
    %get3A_16 = arith.constant 0 : index
    %get3A_17 = arith.constant 3 : index
    %get3A_18 = vector.load %arg2[%get3A_16, %get3A_17] : memref<512x9xf32, #tpu.memory_space<vmem>>, vector<512x1xf32>
    %get3A_19 = arith.constant 0 : index
    %get3A_20 = arith.constant 3 : index
    %get3A_21 = vector.load %arg2[%get3A_19, %get3A_20] : memref<512x9xf32, #tpu.memory_space<vmem>>, vector<512x1xf32>
    %sub3A_22 = arith.subf %get3A_18, %get3A_21 : vector<512x1xf32>
    %get3A_23 = arith.constant 0 : index
    %get3A_24 = arith.constant 1 : index
    %get3A_25 = vector.load %arg7[%get3A_23, %get3A_24] : memref<1x6xf32, #tpu.memory_space<vmem>>, vector<1x1xf32>
    %mul3A_26 = vector.broadcast %get3A_25 : vector<1x1xf32> to vector<512x1xf32>
    %mul3A_27 = arith.mulf %sub3A_22, %mul3A_26 : vector<512x1xf32>
    %add3A_28 = arith.addf %add3A, %mul3A_27 : vector<512x1xf32>
    %get3A_29 = arith.constant 0 : index
    %get3A_30 = arith.constant 6 : index
    %get3A_31 = vector.load %arg2[%get3A_29, %get3A_30] : memref<512x9xf32, #tpu.memory_space<vmem>>, vector<512x1xf32>
    %get3A_32 = arith.constant 0 : index
    %get3A_33 = arith.constant 3 : index
    %get3A_34 = vector.load %arg2[%get3A_32, %get3A_33] : memref<512x9xf32, #tpu.memory_space<vmem>>, vector<512x1xf32>
    %sub3A_35 = arith.subf %get3A_31, %get3A_34 : vector<512x1xf32>
    %get3A_36 = arith.constant 0 : index
    %get3A_37 = arith.constant 2 : index
    %get3A_38 = vector.load %arg7[%get3A_36, %get3A_37] : memref<1x6xf32, #tpu.memory_space<vmem>>, vector<1x1xf32>
    %mul3A_39 = vector.broadcast %get3A_38 : vector<1x1xf32> to vector<512x1xf32>
    %mul3A_40 = arith.mulf %sub3A_35, %mul3A_39 : vector<512x1xf32>
    %add3A_41 = arith.addf %add3A_28, %mul3A_40 : vector<512x1xf32>
    %broadcast_in_dim3A_42 = arith.constant 0.000000e+00 : f32
    %broadcast_in_dim3A_43 = vector.broadcast %broadcast_in_dim3A_42 : f32 to vector<512x1xf32>
    %get3A_44 = arith.constant 0 : index
    %get3A_45 = arith.constant 1 : index
    %get3A_46 = vector.load %arg2[%get3A_44, %get3A_45] : memref<512x9xf32, #tpu.memory_space<vmem>>, vector<512x1xf32>
    %get3A_47 = arith.constant 0 : index
    %get3A_48 = arith.constant 4 : index
    %get3A_49 = vector.load %arg2[%get3A_47, %get3A_48] : memref<512x9xf32, #tpu.memory_space<vmem>>, vector<512x1xf32>
    %sub3A_50 = arith.subf %get3A_46, %get3A_49 : vector<512x1xf32>
    %get3A_51 = arith.constant 0 : index
    %get3A_52 = arith.constant 0 : index
    %get3A_53 = vector.load %arg7[%get3A_51, %get3A_52] : memref<1x6xf32, #tpu.memory_space<vmem>>, vector<1x1xf32>
    %mul3A_54 = vector.broadcast %get3A_53 : vector<1x1xf32> to vector<512x1xf32>
    %mul3A_55 = arith.mulf %sub3A_50, %mul3A_54 : vector<512x1xf32>
    %add3A_56 = arith.addf %broadcast_in_dim3A_43, %mul3A_55 : vector<512x1xf32>
    %get3A_57 = arith.constant 0 : index
    %get3A_58 = arith.constant 4 : index
    %get3A_59 = vector.load %arg2[%get3A_57, %get3A_58] : memref<512x9xf32, #tpu.memory_space<vmem>>, vector<512x1xf32>
    %get3A_60 = arith.constant 0 : index
    %get3A_61 = arith.constant 4 : index
    %get3A_62 = vector.load %arg2[%get3A_60, %get3A_61] : memref<512x9xf32, #tpu.memory_space<vmem>>, vector<512x1xf32>
    %sub3A_63 = arith.subf %get3A_59, %get3A_62 : vector<512x1xf32>
    %get3A_64 = arith.constant 0 : index
    %get3A_65 = arith.constant 1 : index
    %get3A_66 = vector.load %arg7[%get3A_64, %get3A_65] : memref<1x6xf32, #tpu.memory_space<vmem>>, vector<1x1xf32>
    %mul3A_67 = vector.broadcast %get3A_66 : vector<1x1xf32> to vector<512x1xf32>
    %mul3A_68 = arith.mulf %sub3A_63, %mul3A_67 : vector<512x1xf32>
    %add3A_69 = arith.addf %add3A_56, %mul3A_68 : vector<512x1xf32>
    %get3A_70 = arith.constant 0 : index
    %get3A_71 = arith.constant 7 : index
    %get3A_72 = vector.load %arg2[%get3A_70, %get3A_71] : memref<512x9xf32, #tpu.memory_space<vmem>>, vector<512x1xf32>
    %get3A_73 = arith.constant 0 : index
    %get3A_74 = arith.constant 4 : index
    %get3A_75 = vector.load %arg2[%get3A_73, %get3A_74] : memref<512x9xf32, #tpu.memory_space<vmem>>, vector<512x1xf32>
    %sub3A_76 = arith.subf %get3A_72, %get3A_75 : vector<512x1xf32>
    %get3A_77 = arith.constant 0 : index
    %get3A_78 = arith.constant 2 : index
    %get3A_79 = vector.load %arg7[%get3A_77, %get3A_78] : memref<1x6xf32, #tpu.memory_space<vmem>>, vector<1x1xf32>
    %mul3A_80 = vector.broadcast %get3A_79 : vector<1x1xf32> to vector<512x1xf32>
    %mul3A_81 = arith.mulf %sub3A_76, %mul3A_80 : vector<512x1xf32>
    %add3A_82 = arith.addf %add3A_69, %mul3A_81 : vector<512x1xf32>
    %broadcast_in_dim3A_83 = arith.constant 0.000000e+00 : f32
    %broadcast_in_dim3A_84 = vector.broadcast %broadcast_in_dim3A_83 : f32 to vector<512x1xf32>
    %get3A_85 = arith.constant 0 : index
    %get3A_86 = arith.constant 2 : index
    %get3A_87 = vector.load %arg2[%get3A_85, %get3A_86] : memref<512x9xf32, #tpu.memory_space<vmem>>, vector<512x1xf32>
    %get3A_88 = arith.constant 0 : index
    %get3A_89 = arith.constant 5 : index
    %get3A_90 = vector.load %arg2[%get3A_88, %get3A_89] : memref<512x9xf32, #tpu.memory_space<vmem>>, vector<512x1xf32>
    %sub3A_91 = arith.subf %get3A_87, %get3A_90 : vector<512x1xf32>
    %get3A_92 = arith.constant 0 : index
    %get3A_93 = arith.constant 0 : index
    %get3A_94 = vector.load %arg7[%get3A_92, %get3A_93] : memref<1x6xf32, #tpu.memory_space<vmem>>, vector<1x1xf32>
    %mul3A_95 = vector.broadcast %get3A_94 : vector<1x1xf32> to vector<512x1xf32>
    %mul3A_96 = arith.mulf %sub3A_91, %mul3A_95 : vector<512x1xf32>
    %add3A_97 = arith.addf %broadcast_in_dim3A_84, %mul3A_96 : vector<512x1xf32>
    %get3A_98 = arith.constant 0 : index
    %get3A_99 = arith.constant 5 : index
    %get3A_100 = vector.load %arg2[%get3A_98, %get3A_99] : memref<512x9xf32, #tpu.memory_space<vmem>>, vector<512x1xf32>
    %get3A_101 = arith.constant 0 : index
    %get3A_102 = arith.constant 5 : index
    %get3A_103 = vector.load %arg2[%get3A_101, %get3A_102] : memref<512x9xf32, #tpu.memory_space<vmem>>, vector<512x1xf32>
    %sub3A_104 = arith.subf %get3A_100, %get3A_103 : vector<512x1xf32>
    %get3A_105 = arith.constant 0 : index
    %get3A_106 = arith.constant 1 : index
    %get3A_107 = vector.load %arg7[%get3A_105, %get3A_106] : memref<1x6xf32, #tpu.memory_space<vmem>>, vector<1x1xf32>
    %mul3A_108 = vector.broadcast %get3A_107 : vector<1x1xf32> to vector<512x1xf32>
    %mul3A_109 = arith.mulf %sub3A_104, %mul3A_108 : vector<512x1xf32>
    %add3A_110 = arith.addf %add3A_97, %mul3A_109 : vector<512x1xf32>
    %get3A_111 = arith.constant 0 : index
    %get3A_112 = arith.constant 8 : index
    %get3A_113 = vector.load %arg2[%get3A_111, %get3A_112] : memref<512x9xf32, #tpu.memory_space<vmem>>, vector<512x1xf32>
    %get3A_114 = arith.constant 0 : index
    %get3A_115 = arith.constant 5 : index
    %get3A_116 = vector.load %arg2[%get3A_114, %get3A_115] : memref<512x9xf32, #tpu.memory_space<vmem>>, vector<512x1xf32>
    %sub3A_117 = arith.subf %get3A_113, %get3A_116 : vector<512x1xf32>
    %get3A_118 = arith.constant 0 : index
    %get3A_119 = arith.constant 2 : index
    %get3A_120 = vector.load %arg7[%get3A_118, %get3A_119] : memref<1x6xf32, #tpu.memory_space<vmem>>, vector<1x1xf32>
    %mul3A_121 = vector.broadcast %get3A_120 : vector<1x1xf32> to vector<512x1xf32>
    %mul3A_122 = arith.mulf %sub3A_117, %mul3A_121 : vector<512x1xf32>
    %add3A_123 = arith.addf %add3A_110, %mul3A_122 : vector<512x1xf32>
    %broadcast_in_dim3A_124 = arith.constant 0.000000e+00 : f32
    %broadcast_in_dim3A_125 = vector.broadcast %broadcast_in_dim3A_124 : f32 to vector<512x1xf32>
    %get3A_126 = arith.constant 0 : index
    %get3A_127 = arith.constant 0 : index
    %get3A_128 = vector.load %arg2[%get3A_126, %get3A_127] : memref<512x9xf32, #tpu.memory_space<vmem>>, vector<512x1xf32>
    %get3A_129 = arith.constant 0 : index
    %get3A_130 = arith.constant 3 : index
    %get3A_131 = vector.load %arg2[%get3A_129, %get3A_130] : memref<512x9xf32, #tpu.memory_space<vmem>>, vector<512x1xf32>
    %sub3A_132 = arith.subf %get3A_128, %get3A_131 : vector<512x1xf32>
    %get3A_133 = arith.constant 0 : index
    %get3A_134 = arith.constant 3 : index
    %get3A_135 = vector.load %arg7[%get3A_133, %get3A_134] : memref<1x6xf32, #tpu.memory_space<vmem>>, vector<1x1xf32>
    %mul3A_136 = vector.broadcast %get3A_135 : vector<1x1xf32> to vector<512x1xf32>
    %mul3A_137 = arith.mulf %sub3A_132, %mul3A_136 : vector<512x1xf32>
    %add3A_138 = arith.addf %broadcast_in_dim3A_125, %mul3A_137 : vector<512x1xf32>
    %get3A_139 = arith.constant 0 : index
    %get3A_140 = arith.constant 3 : index
    %get3A_141 = vector.load %arg2[%get3A_139, %get3A_140] : memref<512x9xf32, #tpu.memory_space<vmem>>, vector<512x1xf32>
    %get3A_142 = arith.constant 0 : index
    %get3A_143 = arith.constant 3 : index
    %get3A_144 = vector.load %arg2[%get3A_142, %get3A_143] : memref<512x9xf32, #tpu.memory_space<vmem>>, vector<512x1xf32>
    %sub3A_145 = arith.subf %get3A_141, %get3A_144 : vector<512x1xf32>
    %get3A_146 = arith.constant 0 : index
    %get3A_147 = arith.constant 4 : index
    %get3A_148 = vector.load %arg7[%get3A_146, %get3A_147] : memref<1x6xf32, #tpu.memory_space<vmem>>, vector<1x1xf32>
    %mul3A_149 = vector.broadcast %get3A_148 : vector<1x1xf32> to vector<512x1xf32>
    %mul3A_150 = arith.mulf %sub3A_145, %mul3A_149 : vector<512x1xf32>
    %add3A_151 = arith.addf %add3A_138, %mul3A_150 : vector<512x1xf32>
    %get3A_152 = arith.constant 0 : index
    %get3A_153 = arith.constant 6 : index
    %get3A_154 = vector.load %arg2[%get3A_152, %get3A_153] : memref<512x9xf32, #tpu.memory_space<vmem>>, vector<512x1xf32>
    %get3A_155 = arith.constant 0 : index
    %get3A_156 = arith.constant 3 : index
    %get3A_157 = vector.load %arg2[%get3A_155, %get3A_156] : memref<512x9xf32, #tpu.memory_space<vmem>>, vector<512x1xf32>
    %sub3A_158 = arith.subf %get3A_154, %get3A_157 : vector<512x1xf32>
    %get3A_159 = arith.constant 0 : index
    %get3A_160 = arith.constant 5 : index
    %get3A_161 = vector.load %arg7[%get3A_159, %get3A_160] : memref<1x6xf32, #tpu.memory_space<vmem>>, vector<1x1xf32>
    %mul3A_162 = vector.broadcast %get3A_161 : vector<1x1xf32> to vector<512x1xf32>
    %mul3A_163 = arith.mulf %sub3A_158, %mul3A_162 : vector<512x1xf32>
    %add3A_164 = arith.addf %add3A_151, %mul3A_163 : vector<512x1xf32>
    %broadcast_in_dim3A_165 = arith.constant 0.000000e+00 : f32
    %broadcast_in_dim3A_166 = vector.broadcast %broadcast_in_dim3A_165 : f32 to vector<512x1xf32>
    %get3A_167 = arith.constant 0 : index
    %get3A_168 = arith.constant 1 : index
    %get3A_169 = vector.load %arg2[%get3A_167, %get3A_168] : memref<512x9xf32, #tpu.memory_space<vmem>>, vector<512x1xf32>
    %get3A_170 = arith.constant 0 : index
    %get3A_171 = arith.constant 4 : index
    %get3A_172 = vector.load %arg2[%get3A_170, %get3A_171] : memref<512x9xf32, #tpu.memory_space<vmem>>, vector<512x1xf32>
    %sub3A_173 = arith.subf %get3A_169, %get3A_172 : vector<512x1xf32>
    %get3A_174 = arith.constant 0 : index
    %get3A_175 = arith.constant 3 : index
    %get3A_176 = vector.load %arg7[%get3A_174, %get3A_175] : memref<1x6xf32, #tpu.memory_space<vmem>>, vector<1x1xf32>
    %mul3A_177 = vector.broadcast %get3A_176 : vector<1x1xf32> to vector<512x1xf32>
    %mul3A_178 = arith.mulf %sub3A_173, %mul3A_177 : vector<512x1xf32>
    %add3A_179 = arith.addf %broadcast_in_dim3A_166, %mul3A_178 : vector<512x1xf32>
    %get3A_180 = arith.constant 0 : index
    %get3A_181 = arith.constant 4 : index
    %get3A_182 = vector.load %arg2[%get3A_180, %get3A_181] : memref<512x9xf32, #tpu.memory_space<vmem>>, vector<512x1xf32>
    %get3A_183 = arith.constant 0 : index
    %get3A_184 = arith.constant 4 : index
    %get3A_185 = vector.load %arg2[%get3A_183, %get3A_184] : memref<512x9xf32, #tpu.memory_space<vmem>>, vector<512x1xf32>
    %sub3A_186 = arith.subf %get3A_182, %get3A_185 : vector<512x1xf32>
    %get3A_187 = arith.constant 0 : index
    %get3A_188 = arith.constant 4 : index
    %get3A_189 = vector.load %arg7[%get3A_187, %get3A_188] : memref<1x6xf32, #tpu.memory_space<vmem>>, vector<1x1xf32>
    %mul3A_190 = vector.broadcast %get3A_189 : vector<1x1xf32> to vector<512x1xf32>
    %mul3A_191 = arith.mulf %sub3A_186, %mul3A_190 : vector<512x1xf32>
    %add3A_192 = arith.addf %add3A_179, %mul3A_191 : vector<512x1xf32>
    %get3A_193 = arith.constant 0 : index
    %get3A_194 = arith.constant 7 : index
    %get3A_195 = vector.load %arg2[%get3A_193, %get3A_194] : memref<512x9xf32, #tpu.memory_space<vmem>>, vector<512x1xf32>
    %get3A_196 = arith.constant 0 : index
    %get3A_197 = arith.constant 4 : index
    %get3A_198 = vector.load %arg2[%get3A_196, %get3A_197] : memref<512x9xf32, #tpu.memory_space<vmem>>, vector<512x1xf32>
    %sub3A_199 = arith.subf %get3A_195, %get3A_198 : vector<512x1xf32>
    %get3A_200 = arith.constant 0 : index
    %get3A_201 = arith.constant 5 : index
    %get3A_202 = vector.load %arg7[%get3A_200, %get3A_201] : memref<1x6xf32, #tpu.memory_space<vmem>>, vector<1x1xf32>
    %mul3A_203 = vector.broadcast %get3A_202 : vector<1x1xf32> to vector<512x1xf32>
    %mul3A_204 = arith.mulf %sub3A_199, %mul3A_203 : vector<512x1xf32>
    %add3A_205 = arith.addf %add3A_192, %mul3A_204 : vector<512x1xf32>
    %broadcast_in_dim3A_206 = arith.constant 0.000000e+00 : f32
    %broadcast_in_dim3A_207 = vector.broadcast %broadcast_in_dim3A_206 : f32 to vector<512x1xf32>
    %get3A_208 = arith.constant 0 : index
    %get3A_209 = arith.constant 2 : index
    %get3A_210 = vector.load %arg2[%get3A_208, %get3A_209] : memref<512x9xf32, #tpu.memory_space<vmem>>, vector<512x1xf32>
    %get3A_211 = arith.constant 0 : index
    %get3A_212 = arith.constant 5 : index
    %get3A_213 = vector.load %arg2[%get3A_211, %get3A_212] : memref<512x9xf32, #tpu.memory_space<vmem>>, vector<512x1xf32>
    %sub3A_214 = arith.subf %get3A_210, %get3A_213 : vector<512x1xf32>
    %get3A_215 = arith.constant 0 : index
    %get3A_216 = arith.constant 3 : index
    %get3A_217 = vector.load %arg7[%get3A_215, %get3A_216] : memref<1x6xf32, #tpu.memory_space<vmem>>, vector<1x1xf32>
    %mul3A_218 = vector.broadcast %get3A_217 : vector<1x1xf32> to vector<512x1xf32>
    %mul3A_219 = arith.mulf %sub3A_214, %mul3A_218 : vector<512x1xf32>
    %add3A_220 = arith.addf %broadcast_in_dim3A_207, %mul3A_219 : vector<512x1xf32>
    %get3A_221 = arith.constant 0 : index
    %get3A_222 = arith.constant 5 : index
    %get3A_223 = vector.load %arg2[%get3A_221, %get3A_222] : memref<512x9xf32, #tpu.memory_space<vmem>>, vector<512x1xf32>
    %get3A_224 = arith.constant 0 : index
    %get3A_225 = arith.constant 5 : index
    %get3A_226 = vector.load %arg2[%get3A_224, %get3A_225] : memref<512x9xf32, #tpu.memory_space<vmem>>, vector<512x1xf32>
    %sub3A_227 = arith.subf %get3A_223, %get3A_226 : vector<512x1xf32>
    %get3A_228 = arith.constant 0 : index
    %get3A_229 = arith.constant 4 : index
    %get3A_230 = vector.load %arg7[%get3A_228, %get3A_229] : memref<1x6xf32, #tpu.memory_space<vmem>>, vector<1x1xf32>
    %mul3A_231 = vector.broadcast %get3A_230 : vector<1x1xf32> to vector<512x1xf32>
    %mul3A_232 = arith.mulf %sub3A_227, %mul3A_231 : vector<512x1xf32>
    %add3A_233 = arith.addf %add3A_220, %mul3A_232 : vector<512x1xf32>
    %get3A_234 = arith.constant 0 : index
    %get3A_235 = arith.constant 8 : index
    %get3A_236 = vector.load %arg2[%get3A_234, %get3A_235] : memref<512x9xf32, #tpu.memory_space<vmem>>, vector<512x1xf32>
    %get3A_237 = arith.constant 0 : index
    %get3A_238 = arith.constant 5 : index
    %get3A_239 = vector.load %arg2[%get3A_237, %get3A_238] : memref<512x9xf32, #tpu.memory_space<vmem>>, vector<512x1xf32>
    %sub3A_240 = arith.subf %get3A_236, %get3A_239 : vector<512x1xf32>
    %get3A_241 = arith.constant 0 : index
    %get3A_242 = arith.constant 5 : index
    %get3A_243 = vector.load %arg7[%get3A_241, %get3A_242] : memref<1x6xf32, #tpu.memory_space<vmem>>, vector<1x1xf32>
    %mul3A_244 = vector.broadcast %get3A_243 : vector<1x1xf32> to vector<512x1xf32>
    %mul3A_245 = arith.mulf %sub3A_240, %mul3A_244 : vector<512x1xf32>
    %add3A_246 = arith.addf %add3A_233, %mul3A_245 : vector<512x1xf32>
    %concatenate3A = tpu.concatenate %add3A_41, %add3A_82, %add3A_123, %add3A_164, %add3A_205, %add3A_246 in 1 : vector<512x1xf32>, vector<512x1xf32>, vector<512x1xf32>, vector<512x1xf32>, vector<512x1xf32>, vector<512x1xf32> -> vector<512x6xf32>
    %add3A_247 = arith.addf %get3A_4, %concatenate3A : vector<512x6xf32>
    %get3A_248 = arith.constant 0 : index
    %get3A_249 = arith.constant 0 : index
    %get3A_250 = vector.load %arg5[%get3A_248, %get3A_249] : memref<512x1xf32, #tpu.memory_space<vmem>>, vector<512x1xf32>
    %gt3A = arith.constant 0.000000e+00 : f32
    %gt3A_251 = vector.broadcast %gt3A : f32 to vector<512x1xf32>
    %gt3A_252 = arith.cmpf ogt, %get3A_250, %gt3A_251 : vector<512x1xf32>
    %jit3A = arith.constant 0.000000e+00 : f32
    %broadcast_in_dim3A_253 = vector.shape_cast %gt3A_252 : vector<512x1xi1> to vector<512x1xi1>
    %broadcast_in_dim3A_254 = vector.broadcast %broadcast_in_dim3A_253 : vector<512x1xi1> to vector<512x6xi1>
    %broadcast_in_dim3A_255 = vector.broadcast %jit3A : f32 to vector<512x6xf32>
    %select_n3A = arith.select %broadcast_in_dim3A_254, %broadcast_in_dim3A_255, %add3A_247 : vector<512x6xi1>, vector<512x6xf32>
    %slice3A = vector.extract_strided_slice %select_n3A {offsets = [0, 0], sizes = [512, 3], strides = [1, 1]} : vector<512x6xf32> to vector<512x3xf32>
    %div3A = arith.constant 1.000000e+01 : f32
    %div3A_256 = vector.broadcast %div3A : f32 to vector<512x3xf32>
    %div3A_257 = arith.divf %slice3A, %div3A_256 : vector<512x3xf32>
    %slice3A_258 = vector.extract_strided_slice %select_n3A {offsets = [0, 3], sizes = [512, 1], strides = [1, 1]} : vector<512x6xf32> to vector<512x1xf32>
    %div3A_259 = arith.constant 1.000000e+02 : f32
    %div3A_260 = vector.broadcast %div3A_259 : f32 to vector<512x1xf32>
    %div3A_261 = arith.divf %slice3A_258, %div3A_260 : vector<512x1xf32>
    %slice3A_262 = vector.extract_strided_slice %select_n3A {offsets = [0, 4], sizes = [512, 1], strides = [1, 1]} : vector<512x6xf32> to vector<512x1xf32>
    %div3A_263 = arith.constant 1.000000e+02 : f32
    %div3A_264 = vector.broadcast %div3A_263 : f32 to vector<512x1xf32>
    %div3A_265 = arith.divf %slice3A_262, %div3A_264 : vector<512x1xf32>
    %slice3A_266 = vector.extract_strided_slice %select_n3A {offsets = [0, 5], sizes = [512, 1], strides = [1, 1]} : vector<512x6xf32> to vector<512x1xf32>
    %div3A_267 = arith.constant 1.000000e+02 : f32
    %div3A_268 = vector.broadcast %div3A_267 : f32 to vector<512x1xf32>
    %div3A_269 = arith.divf %slice3A_266, %div3A_268 : vector<512x1xf32>
    %mul3A_270 = arith.mulf %div3A_261, %div3A_261 : vector<512x1xf32>
    %add3A_271 = arith.constant 1.000000e+00 : f32
    %add3A_272 = vector.broadcast %add3A_271 : f32 to vector<512x1xf32>
    %add3A_273 = arith.addf %add3A_272, %mul3A_270 : vector<512x1xf32>
    %mul3A_274 = arith.mulf %div3A_265, %div3A_265 : vector<512x1xf32>
    %add3A_275 = arith.addf %add3A_273, %mul3A_274 : vector<512x1xf32>
    %mul3A_276 = arith.mulf %div3A_269, %div3A_269 : vector<512x1xf32>
    %add3A_277 = arith.addf %add3A_275, %mul3A_276 : vector<512x1xf32>
    %sqrt3A = math.sqrt %add3A_277 : vector<512x1xf32>
    %div3A_278 = arith.constant 1.000000e+00 : f32
    %div3A_279 = vector.broadcast %div3A_278 : f32 to vector<512x1xf32>
    %div3A_280 = arith.divf %div3A_279, %sqrt3A : vector<512x1xf32>
    %div3A_281 = arith.divf %div3A_261, %sqrt3A : vector<512x1xf32>
    %div3A_282 = arith.divf %div3A_265, %sqrt3A : vector<512x1xf32>
    %div3A_283 = arith.divf %div3A_269, %sqrt3A : vector<512x1xf32>
    %mul3A_284 = arith.mulf %div3A_280, %div3A_280 : vector<512x1xf32>
    %mul3A_285 = arith.mulf %div3A_281, %div3A_281 : vector<512x1xf32>
    %add3A_286 = arith.addf %mul3A_284, %mul3A_285 : vector<512x1xf32>
    %mul3A_287 = arith.mulf %div3A_282, %div3A_282 : vector<512x1xf32>
    %sub3A_288 = arith.subf %add3A_286, %mul3A_287 : vector<512x1xf32>
    %mul3A_289 = arith.mulf %div3A_283, %div3A_283 : vector<512x1xf32>
    %sub3A_290 = arith.subf %sub3A_288, %mul3A_289 : vector<512x1xf32>
    %mul3A_291 = arith.constant 2.000000e+00 : f32
    %mul3A_292 = vector.broadcast %mul3A_291 : f32 to vector<512x1xf32>
    %mul3A_293 = arith.mulf %mul3A_292, %div3A_281 : vector<512x1xf32>
    %mul3A_294 = arith.mulf %mul3A_293, %div3A_282 : vector<512x1xf32>
    %mul3A_295 = arith.constant 2.000000e+00 : f32
    %mul3A_296 = vector.broadcast %mul3A_295 : f32 to vector<512x1xf32>
    %mul3A_297 = arith.mulf %mul3A_296, %div3A_280 : vector<512x1xf32>
    %mul3A_298 = arith.mulf %mul3A_297, %div3A_283 : vector<512x1xf32>
    %sub3A_299 = arith.subf %mul3A_294, %mul3A_298 : vector<512x1xf32>
    %mul3A_300 = arith.constant 2.000000e+00 : f32
    %mul3A_301 = vector.broadcast %mul3A_300 : f32 to vector<512x1xf32>
    %mul3A_302 = arith.mulf %mul3A_301, %div3A_281 : vector<512x1xf32>
    %mul3A_303 = arith.mulf %mul3A_302, %div3A_283 : vector<512x1xf32>
    %mul3A_304 = arith.constant 2.000000e+00 : f32
    %mul3A_305 = vector.broadcast %mul3A_304 : f32 to vector<512x1xf32>
    %mul3A_306 = arith.mulf %mul3A_305, %div3A_280 : vector<512x1xf32>
    %mul3A_307 = arith.mulf %mul3A_306, %div3A_282 : vector<512x1xf32>
    %add3A_308 = arith.addf %mul3A_303, %mul3A_307 : vector<512x1xf32>
    %mul3A_309 = arith.constant 2.000000e+00 : f32
    %mul3A_310 = vector.broadcast %mul3A_309 : f32 to vector<512x1xf32>
    %mul3A_311 = arith.mulf %mul3A_310, %div3A_281 : vector<512x1xf32>
    %mul3A_312 = arith.mulf %mul3A_311, %div3A_282 : vector<512x1xf32>
    %mul3A_313 = arith.constant 2.000000e+00 : f32
    %mul3A_314 = vector.broadcast %mul3A_313 : f32 to vector<512x1xf32>
    %mul3A_315 = arith.mulf %mul3A_314, %div3A_280 : vector<512x1xf32>
    %mul3A_316 = arith.mulf %mul3A_315, %div3A_283 : vector<512x1xf32>
    %add3A_317 = arith.addf %mul3A_312, %mul3A_316 : vector<512x1xf32>
    %mul3A_318 = arith.mulf %div3A_280, %div3A_280 : vector<512x1xf32>
    %mul3A_319 = arith.mulf %div3A_281, %div3A_281 : vector<512x1xf32>
    %sub3A_320 = arith.subf %mul3A_318, %mul3A_319 : vector<512x1xf32>
    %mul3A_321 = arith.mulf %div3A_282, %div3A_282 : vector<512x1xf32>
    %add3A_322 = arith.addf %sub3A_320, %mul3A_321 : vector<512x1xf32>
    %mul3A_323 = arith.mulf %div3A_283, %div3A_283 : vector<512x1xf32>
    %sub3A_324 = arith.subf %add3A_322, %mul3A_323 : vector<512x1xf32>
    %mul3A_325 = arith.constant 2.000000e+00 : f32
    %mul3A_326 = vector.broadcast %mul3A_325 : f32 to vector<512x1xf32>
    %mul3A_327 = arith.mulf %mul3A_326, %div3A_282 : vector<512x1xf32>
    %mul3A_328 = arith.mulf %mul3A_327, %div3A_283 : vector<512x1xf32>
    %mul3A_329 = arith.constant 2.000000e+00 : f32
    %mul3A_330 = vector.broadcast %mul3A_329 : f32 to vector<512x1xf32>
    %mul3A_331 = arith.mulf %mul3A_330, %div3A_280 : vector<512x1xf32>
    %mul3A_332 = arith.mulf %mul3A_331, %div3A_281 : vector<512x1xf32>
    %sub3A_333 = arith.subf %mul3A_328, %mul3A_332 : vector<512x1xf32>
    %mul3A_334 = arith.constant 2.000000e+00 : f32
    %mul3A_335 = vector.broadcast %mul3A_334 : f32 to vector<512x1xf32>
    %mul3A_336 = arith.mulf %mul3A_335, %div3A_281 : vector<512x1xf32>
    %mul3A_337 = arith.mulf %mul3A_336, %div3A_283 : vector<512x1xf32>
    %mul3A_338 = arith.constant 2.000000e+00 : f32
    %mul3A_339 = vector.broadcast %mul3A_338 : f32 to vector<512x1xf32>
    %mul3A_340 = arith.mulf %mul3A_339, %div3A_280 : vector<512x1xf32>
    %mul3A_341 = arith.mulf %mul3A_340, %div3A_282 : vector<512x1xf32>
    %sub3A_342 = arith.subf %mul3A_337, %mul3A_341 : vector<512x1xf32>
    %mul3A_343 = arith.constant 2.000000e+00 : f32
    %mul3A_344 = vector.broadcast %mul3A_343 : f32 to vector<512x1xf32>
    %mul3A_345 = arith.mulf %mul3A_344, %div3A_282 : vector<512x1xf32>
    %mul3A_346 = arith.mulf %mul3A_345, %div3A_283 : vector<512x1xf32>
    %mul3A_347 = arith.constant 2.000000e+00 : f32
    %mul3A_348 = vector.broadcast %mul3A_347 : f32 to vector<512x1xf32>
    %mul3A_349 = arith.mulf %mul3A_348, %div3A_280 : vector<512x1xf32>
    %mul3A_350 = arith.mulf %mul3A_349, %div3A_281 : vector<512x1xf32>
    %add3A_351 = arith.addf %mul3A_346, %mul3A_350 : vector<512x1xf32>
    %mul3A_352 = arith.mulf %div3A_280, %div3A_280 : vector<512x1xf32>
    %mul3A_353 = arith.mulf %div3A_281, %div3A_281 : vector<512x1xf32>
    %sub3A_354 = arith.subf %mul3A_352, %mul3A_353 : vector<512x1xf32>
    %mul3A_355 = arith.mulf %div3A_282, %div3A_282 : vector<512x1xf32>
    %sub3A_356 = arith.subf %sub3A_354, %mul3A_355 : vector<512x1xf32>
    %mul3A_357 = arith.mulf %div3A_283, %div3A_283 : vector<512x1xf32>
    %add3A_358 = arith.addf %sub3A_356, %mul3A_357 : vector<512x1xf32>
    %broadcast_in_dim3A_359 = arith.constant 0.000000e+00 : f32
    %broadcast_in_dim3A_360 = vector.broadcast %broadcast_in_dim3A_359 : f32 to vector<512x1xf32>
    %get3A_361 = arith.constant 0 : index
    %get3A_362 = arith.constant 0 : index
    %get3A_363 = vector.load %arg3[%get3A_361, %get3A_362] : memref<512x9xf32, #tpu.memory_space<vmem>>, vector<512x1xf32>
    %mul3A_364 = arith.mulf %sub3A_290, %get3A_363 : vector<512x1xf32>
    %add3A_365 = arith.addf %broadcast_in_dim3A_360, %mul3A_364 : vector<512x1xf32>
    %get3A_366 = arith.constant 0 : index
    %get3A_367 = arith.constant 3 : index
    %get3A_368 = vector.load %arg3[%get3A_366, %get3A_367] : memref<512x9xf32, #tpu.memory_space<vmem>>, vector<512x1xf32>
    %mul3A_369 = arith.mulf %sub3A_299, %get3A_368 : vector<512x1xf32>
    %add3A_370 = arith.addf %add3A_365, %mul3A_369 : vector<512x1xf32>
    %get3A_371 = arith.constant 0 : index
    %get3A_372 = arith.constant 6 : index
    %get3A_373 = vector.load %arg3[%get3A_371, %get3A_372] : memref<512x9xf32, #tpu.memory_space<vmem>>, vector<512x1xf32>
    %mul3A_374 = arith.mulf %add3A_308, %get3A_373 : vector<512x1xf32>
    %add3A_375 = arith.addf %add3A_370, %mul3A_374 : vector<512x1xf32>
    %broadcast_in_dim3A_376 = arith.constant 0.000000e+00 : f32
    %broadcast_in_dim3A_377 = vector.broadcast %broadcast_in_dim3A_376 : f32 to vector<512x1xf32>
    %get3A_378 = arith.constant 0 : index
    %get3A_379 = arith.constant 1 : index
    %get3A_380 = vector.load %arg3[%get3A_378, %get3A_379] : memref<512x9xf32, #tpu.memory_space<vmem>>, vector<512x1xf32>
    %mul3A_381 = arith.mulf %sub3A_290, %get3A_380 : vector<512x1xf32>
    %add3A_382 = arith.addf %broadcast_in_dim3A_377, %mul3A_381 : vector<512x1xf32>
    %get3A_383 = arith.constant 0 : index
    %get3A_384 = arith.constant 4 : index
    %get3A_385 = vector.load %arg3[%get3A_383, %get3A_384] : memref<512x9xf32, #tpu.memory_space<vmem>>, vector<512x1xf32>
    %mul3A_386 = arith.mulf %sub3A_299, %get3A_385 : vector<512x1xf32>
    %add3A_387 = arith.addf %add3A_382, %mul3A_386 : vector<512x1xf32>
    %get3A_388 = arith.constant 0 : index
    %get3A_389 = arith.constant 7 : index
    %get3A_390 = vector.load %arg3[%get3A_388, %get3A_389] : memref<512x9xf32, #tpu.memory_space<vmem>>, vector<512x1xf32>
    %mul3A_391 = arith.mulf %add3A_308, %get3A_390 : vector<512x1xf32>
    %add3A_392 = arith.addf %add3A_387, %mul3A_391 : vector<512x1xf32>
    %broadcast_in_dim3A_393 = arith.constant 0.000000e+00 : f32
    %broadcast_in_dim3A_394 = vector.broadcast %broadcast_in_dim3A_393 : f32 to vector<512x1xf32>
    %get3A_395 = arith.constant 0 : index
    %get3A_396 = arith.constant 2 : index
    %get3A_397 = vector.load %arg3[%get3A_395, %get3A_396] : memref<512x9xf32, #tpu.memory_space<vmem>>, vector<512x1xf32>
    %mul3A_398 = arith.mulf %sub3A_290, %get3A_397 : vector<512x1xf32>
    %add3A_399 = arith.addf %broadcast_in_dim3A_394, %mul3A_398 : vector<512x1xf32>
    %get3A_400 = arith.constant 0 : index
    %get3A_401 = arith.constant 5 : index
    %get3A_402 = vector.load %arg3[%get3A_400, %get3A_401] : memref<512x9xf32, #tpu.memory_space<vmem>>, vector<512x1xf32>
    %mul3A_403 = arith.mulf %sub3A_299, %get3A_402 : vector<512x1xf32>
    %add3A_404 = arith.addf %add3A_399, %mul3A_403 : vector<512x1xf32>
    %get3A_405 = arith.constant 0 : index
    %get3A_406 = arith.constant 8 : index
    %get3A_407 = vector.load %arg3[%get3A_405, %get3A_406] : memref<512x9xf32, #tpu.memory_space<vmem>>, vector<512x1xf32>
    %mul3A_408 = arith.mulf %add3A_308, %get3A_407 : vector<512x1xf32>
    %add3A_409 = arith.addf %add3A_404, %mul3A_408 : vector<512x1xf32>
    %broadcast_in_dim3A_410 = arith.constant 0.000000e+00 : f32
    %broadcast_in_dim3A_411 = vector.broadcast %broadcast_in_dim3A_410 : f32 to vector<512x1xf32>
    %get3A_412 = arith.constant 0 : index
    %get3A_413 = arith.constant 0 : index
    %get3A_414 = vector.load %arg3[%get3A_412, %get3A_413] : memref<512x9xf32, #tpu.memory_space<vmem>>, vector<512x1xf32>
    %mul3A_415 = arith.mulf %add3A_317, %get3A_414 : vector<512x1xf32>
    %add3A_416 = arith.addf %broadcast_in_dim3A_411, %mul3A_415 : vector<512x1xf32>
    %get3A_417 = arith.constant 0 : index
    %get3A_418 = arith.constant 3 : index
    %get3A_419 = vector.load %arg3[%get3A_417, %get3A_418] : memref<512x9xf32, #tpu.memory_space<vmem>>, vector<512x1xf32>
    %mul3A_420 = arith.mulf %sub3A_324, %get3A_419 : vector<512x1xf32>
    %add3A_421 = arith.addf %add3A_416, %mul3A_420 : vector<512x1xf32>
    %get3A_422 = arith.constant 0 : index
    %get3A_423 = arith.constant 6 : index
    %get3A_424 = vector.load %arg3[%get3A_422, %get3A_423] : memref<512x9xf32, #tpu.memory_space<vmem>>, vector<512x1xf32>
    %mul3A_425 = arith.mulf %sub3A_333, %get3A_424 : vector<512x1xf32>
    %add3A_426 = arith.addf %add3A_421, %mul3A_425 : vector<512x1xf32>
    %broadcast_in_dim3A_427 = arith.constant 0.000000e+00 : f32
    %broadcast_in_dim3A_428 = vector.broadcast %broadcast_in_dim3A_427 : f32 to vector<512x1xf32>
    %get3A_429 = arith.constant 0 : index
    %get3A_430 = arith.constant 1 : index
    %get3A_431 = vector.load %arg3[%get3A_429, %get3A_430] : memref<512x9xf32, #tpu.memory_space<vmem>>, vector<512x1xf32>
    %mul3A_432 = arith.mulf %add3A_317, %get3A_431 : vector<512x1xf32>
    %add3A_433 = arith.addf %broadcast_in_dim3A_428, %mul3A_432 : vector<512x1xf32>
    %get3A_434 = arith.constant 0 : index
    %get3A_435 = arith.constant 4 : index
    %get3A_436 = vector.load %arg3[%get3A_434, %get3A_435] : memref<512x9xf32, #tpu.memory_space<vmem>>, vector<512x1xf32>
    %mul3A_437 = arith.mulf %sub3A_324, %get3A_436 : vector<512x1xf32>
    %add3A_438 = arith.addf %add3A_433, %mul3A_437 : vector<512x1xf32>
    %get3A_439 = arith.constant 0 : index
    %get3A_440 = arith.constant 7 : index
    %get3A_441 = vector.load %arg3[%get3A_439, %get3A_440] : memref<512x9xf32, #tpu.memory_space<vmem>>, vector<512x1xf32>
    %mul3A_442 = arith.mulf %sub3A_333, %get3A_441 : vector<512x1xf32>
    %add3A_443 = arith.addf %add3A_438, %mul3A_442 : vector<512x1xf32>
    %broadcast_in_dim3A_444 = arith.constant 0.000000e+00 : f32
    %broadcast_in_dim3A_445 = vector.broadcast %broadcast_in_dim3A_444 : f32 to vector<512x1xf32>
    %get3A_446 = arith.constant 0 : index
    %get3A_447 = arith.constant 2 : index
    %get3A_448 = vector.load %arg3[%get3A_446, %get3A_447] : memref<512x9xf32, #tpu.memory_space<vmem>>, vector<512x1xf32>
    %mul3A_449 = arith.mulf %add3A_317, %get3A_448 : vector<512x1xf32>
    %add3A_450 = arith.addf %broadcast_in_dim3A_445, %mul3A_449 : vector<512x1xf32>
    %get3A_451 = arith.constant 0 : index
    %get3A_452 = arith.constant 5 : index
    %get3A_453 = vector.load %arg3[%get3A_451, %get3A_452] : memref<512x9xf32, #tpu.memory_space<vmem>>, vector<512x1xf32>
    %mul3A_454 = arith.mulf %sub3A_324, %get3A_453 : vector<512x1xf32>
    %add3A_455 = arith.addf %add3A_450, %mul3A_454 : vector<512x1xf32>
    %get3A_456 = arith.constant 0 : index
    %get3A_457 = arith.constant 8 : index
    %get3A_458 = vector.load %arg3[%get3A_456, %get3A_457] : memref<512x9xf32, #tpu.memory_space<vmem>>, vector<512x1xf32>
    %mul3A_459 = arith.mulf %sub3A_333, %get3A_458 : vector<512x1xf32>
    %add3A_460 = arith.addf %add3A_455, %mul3A_459 : vector<512x1xf32>
    %broadcast_in_dim3A_461 = arith.constant 0.000000e+00 : f32
    %broadcast_in_dim3A_462 = vector.broadcast %broadcast_in_dim3A_461 : f32 to vector<512x1xf32>
    %get3A_463 = arith.constant 0 : index
    %get3A_464 = arith.constant 0 : index
    %get3A_465 = vector.load %arg3[%get3A_463, %get3A_464] : memref<512x9xf32, #tpu.memory_space<vmem>>, vector<512x1xf32>
    %mul3A_466 = arith.mulf %sub3A_342, %get3A_465 : vector<512x1xf32>
    %add3A_467 = arith.addf %broadcast_in_dim3A_462, %mul3A_466 : vector<512x1xf32>
    %get3A_468 = arith.constant 0 : index
    %get3A_469 = arith.constant 3 : index
    %get3A_470 = vector.load %arg3[%get3A_468, %get3A_469] : memref<512x9xf32, #tpu.memory_space<vmem>>, vector<512x1xf32>
    %mul3A_471 = arith.mulf %add3A_351, %get3A_470 : vector<512x1xf32>
    %add3A_472 = arith.addf %add3A_467, %mul3A_471 : vector<512x1xf32>
    %get3A_473 = arith.constant 0 : index
    %get3A_474 = arith.constant 6 : index
    %get3A_475 = vector.load %arg3[%get3A_473, %get3A_474] : memref<512x9xf32, #tpu.memory_space<vmem>>, vector<512x1xf32>
    %mul3A_476 = arith.mulf %add3A_358, %get3A_475 : vector<512x1xf32>
    %add3A_477 = arith.addf %add3A_472, %mul3A_476 : vector<512x1xf32>
    %broadcast_in_dim3A_478 = arith.constant 0.000000e+00 : f32
    %broadcast_in_dim3A_479 = vector.broadcast %broadcast_in_dim3A_478 : f32 to vector<512x1xf32>
    %get3A_480 = arith.constant 0 : index
    %get3A_481 = arith.constant 1 : index
    %get3A_482 = vector.load %arg3[%get3A_480, %get3A_481] : memref<512x9xf32, #tpu.memory_space<vmem>>, vector<512x1xf32>
    %mul3A_483 = arith.mulf %sub3A_342, %get3A_482 : vector<512x1xf32>
    %add3A_484 = arith.addf %broadcast_in_dim3A_479, %mul3A_483 : vector<512x1xf32>
    %get3A_485 = arith.constant 0 : index
    %get3A_486 = arith.constant 4 : index
    %get3A_487 = vector.load %arg3[%get3A_485, %get3A_486] : memref<512x9xf32, #tpu.memory_space<vmem>>, vector<512x1xf32>
    %mul3A_488 = arith.mulf %add3A_351, %get3A_487 : vector<512x1xf32>
    %add3A_489 = arith.addf %add3A_484, %mul3A_488 : vector<512x1xf32>
    %get3A_490 = arith.constant 0 : index
    %get3A_491 = arith.constant 7 : index
    %get3A_492 = vector.load %arg3[%get3A_490, %get3A_491] : memref<512x9xf32, #tpu.memory_space<vmem>>, vector<512x1xf32>
    %mul3A_493 = arith.mulf %add3A_358, %get3A_492 : vector<512x1xf32>
    %add3A_494 = arith.addf %add3A_489, %mul3A_493 : vector<512x1xf32>
    %broadcast_in_dim3A_495 = arith.constant 0.000000e+00 : f32
    %broadcast_in_dim3A_496 = vector.broadcast %broadcast_in_dim3A_495 : f32 to vector<512x1xf32>
    %get3A_497 = arith.constant 0 : index
    %get3A_498 = arith.constant 2 : index
    %get3A_499 = vector.load %arg3[%get3A_497, %get3A_498] : memref<512x9xf32, #tpu.memory_space<vmem>>, vector<512x1xf32>
    %mul3A_500 = arith.mulf %sub3A_342, %get3A_499 : vector<512x1xf32>
    %add3A_501 = arith.addf %broadcast_in_dim3A_496, %mul3A_500 : vector<512x1xf32>
    %get3A_502 = arith.constant 0 : index
    %get3A_503 = arith.constant 5 : index
    %get3A_504 = vector.load %arg3[%get3A_502, %get3A_503] : memref<512x9xf32, #tpu.memory_space<vmem>>, vector<512x1xf32>
    %mul3A_505 = arith.mulf %add3A_351, %get3A_504 : vector<512x1xf32>
    %add3A_506 = arith.addf %add3A_501, %mul3A_505 : vector<512x1xf32>
    %get3A_507 = arith.constant 0 : index
    %get3A_508 = arith.constant 8 : index
    %get3A_509 = vector.load %arg3[%get3A_507, %get3A_508] : memref<512x9xf32, #tpu.memory_space<vmem>>, vector<512x1xf32>
    %mul3A_510 = arith.mulf %add3A_358, %get3A_509 : vector<512x1xf32>
    %add3A_511 = arith.addf %add3A_506, %mul3A_510 : vector<512x1xf32>
    %concatenate3A_512 = tpu.concatenate %add3A_375, %add3A_392, %add3A_409, %add3A_426, %add3A_443, %add3A_460, %add3A_477, %add3A_494, %add3A_511 in 1 : vector<512x1xf32>, vector<512x1xf32>, vector<512x1xf32>, vector<512x1xf32>, vector<512x1xf32>, vector<512x1xf32>, vector<512x1xf32>, vector<512x1xf32>, vector<512x1xf32> -> vector<512x9xf32>
    %swap3A = arith.constant 0 : index
    %swap3A_513 = arith.constant 0 : index
    %swap3A_514 = vector.load %arg26[%swap3A, %swap3A_513] : memref<512x9xf32, #tpu.memory_space<vmem>>, vector<512x9xf32>
    tpu.vector_store %arg26[%swap3A, %swap3A_513], %concatenate3A_512 {strides = array<i32>} : memref<512x9xf32, #tpu.memory_space<vmem>>, vector<512x9xf32>,
    %get3A_515 = arith.constant 0 : index
    %get3A_516 = arith.constant 0 : index
    %get3A_517 = vector.load %arg4[%get3A_515, %get3A_516] : memref<512x3xf32, #tpu.memory_space<vmem>>, vector<512x3xf32>
    %add3A_518 = arith.addf %div3A_257, %get3A_517 : vector<512x3xf32>
    %swap3A_519 = arith.constant 0 : index
    %swap3A_520 = arith.constant 0 : index
    %swap3A_521 = vector.load %arg27[%swap3A_519, %swap3A_520] : memref<512x3xf32, #tpu.memory_space<vmem>>, vector<512x3xf32>
    tpu.vector_store %arg27[%swap3A_519, %swap3A_520], %add3A_518 {strides = array<i32>} : memref<512x3xf32, #tpu.memory_space<vmem>>, vector<512x3xf32>,
    %swap3A_522 = arith.constant 0 : index
    %swap3A_523 = arith.constant 0 : index
    %swap3A_524 = vector.load %arg28[%swap3A_522, %swap3A_523] : memref<512x16xf32, #tpu.memory_space<vmem>>, vector<512x16xf32>
    tpu.vector_store %arg28[%swap3A_522, %swap3A_523], %get3A_1 {strides = array<i32>} : memref<512x16xf32, #tpu.memory_space<vmem>>, vector<512x16xf32>,
    %get3A_525 = arith.constant 0 : index
    %get3A_526 = arith.constant 0 : index
    %get3A_527 = vector.load %arg6[%get3A_525, %get3A_526] : memref<512x256xf32, #tpu.memory_space<vmem>>, vector<512x256xf32>
    %get3A_528 = arith.constant 0 : index
    %get3A_529 = arith.constant 0 : index
    %get3A_530 = vector.load %arg8[%get3A_528, %get3A_529] : memref<1x256xf32, #tpu.memory_space<vmem>>, vector<1x256xf32>
    %get3A_531 = arith.constant 0 : index
    %get3A_532 = arith.constant 0 : index
    %get3A_533 = vector.load %arg9[%get3A_531, %get3A_532] : memref<1x256xf32, #tpu.memory_space<vmem>>, vector<1x256xf32>
    %reduce_sum3A = arith.constant dense<0.000000e+00> : vector<512xf32>
    %reduce_sum3A_534 = vector.multi_reduction <add>, %get3A_527, %reduce_sum3A [1] : vector<512x256xf32> to vector<512xf32>
    %broadcast_in_dim3A_535 = vector.shape_cast %reduce_sum3A_534 : vector<512xf32> to vector<512x1xf32>
    %div3A_536 = arith.constant 2.560000e+02 : f32
    %div3A_537 = vector.broadcast %div3A_536 : f32 to vector<512x1xf32>
    %div3A_538 = arith.divf %broadcast_in_dim3A_535, %div3A_537 : vector<512x1xf32>
    %sub3A_539 = vector.broadcast %div3A_538 : vector<512x1xf32> to vector<512x256xf32>
    %sub3A_540 = arith.subf %get3A_527, %sub3A_539 : vector<512x256xf32>
    %integer_pow3A = arith.mulf %sub3A_540, %sub3A_540 : vector<512x256xf32>
    %reduce_sum3A_541 = arith.constant dense<0.000000e+00> : vector<512xf32>
    %reduce_sum3A_542 = vector.multi_reduction <add>, %integer_pow3A, %reduce_sum3A_541 [1] : vector<512x256xf32> to vector<512xf32>
    %broadcast_in_dim3A_543 = vector.shape_cast %reduce_sum3A_542 : vector<512xf32> to vector<512x1xf32>
    %div3A_544 = arith.constant 2.560000e+02 : f32
    %div3A_545 = vector.broadcast %div3A_544 : f32 to vector<512x1xf32>
    %div3A_546 = arith.divf %broadcast_in_dim3A_543, %div3A_545 : vector<512x1xf32>
    %sub3A_547 = vector.broadcast %div3A_538 : vector<512x1xf32> to vector<512x256xf32>
    %sub3A_548 = arith.subf %get3A_527, %sub3A_547 : vector<512x256xf32>
    %add3A_549 = arith.constant 9.99999974E-6 : f32
    %add3A_550 = vector.broadcast %add3A_549 : f32 to vector<512x1xf32>
    %add3A_551 = arith.addf %div3A_546, %add3A_550 : vector<512x1xf32>
    %sqrt3A_552 = math.sqrt %add3A_551 : vector<512x1xf32>
    %div3A_553 = vector.broadcast %sqrt3A_552 : vector<512x1xf32> to vector<512x256xf32>
    %div3A_554 = arith.divf %sub3A_548, %div3A_553 : vector<512x256xf32>
    %mul3A_555 = vector.broadcast %get3A_530 : vector<1x256xf32> to vector<512x256xf32>
    %mul3A_556 = arith.mulf %div3A_554, %mul3A_555 : vector<512x256xf32>
    %add3A_557 = vector.broadcast %get3A_533 : vector<1x256xf32> to vector<512x256xf32>
    %add3A_558 = arith.addf %mul3A_556, %add3A_557 : vector<512x256xf32>
    %get3A_559 = arith.constant 0 : index
    %get3A_560 = arith.constant 0 : index
    %get3A_561 = vector.load %arg10[%get3A_559, %get3A_560] : memref<1x16xf32, #tpu.memory_space<vmem>>, vector<1x16xf32>
    %get3A_562 = arith.constant 0 : index
    %get3A_563 = arith.constant 0 : index
    %get3A_564 = vector.load %arg11[%get3A_562, %get3A_563] : memref<1x16xf32, #tpu.memory_space<vmem>>, vector<1x16xf32>
    %reduce_sum3A_565 = arith.constant dense<0.000000e+00> : vector<512xf32>
    %reduce_sum3A_566 = vector.multi_reduction <add>, %get3A_1, %reduce_sum3A_565 [1] : vector<512x16xf32> to vector<512xf32>
    %broadcast_in_dim3A_567 = vector.shape_cast %reduce_sum3A_566 : vector<512xf32> to vector<512x1xf32>
    %div3A_568 = arith.constant 1.600000e+01 : f32
    %div3A_569 = vector.broadcast %div3A_568 : f32 to vector<512x1xf32>
    %div3A_570 = arith.divf %broadcast_in_dim3A_567, %div3A_569 : vector<512x1xf32>
    %sub3A_571 = vector.broadcast %div3A_570 : vector<512x1xf32> to vector<512x16xf32>
    %sub3A_572 = arith.subf %get3A_1, %sub3A_571 : vector<512x16xf32>
    %integer_pow3A_573 = arith.mulf %sub3A_572, %sub3A_572 : vector<512x16xf32>
    %reduce_sum3A_574 = arith.constant dense<0.000000e+00> : vector<512xf32>
    %reduce_sum3A_575 = vector.multi_reduction <add>, %integer_pow3A_573, %reduce_sum3A_574 [1] : vector<512x16xf32> to vector<512xf32>
    %broadcast_in_dim3A_576 = vector.shape_cast %reduce_sum3A_575 : vector<512xf32> to vector<512x1xf32>
    %div3A_577 = arith.constant 1.600000e+01 : f32
    %div3A_578 = vector.broadcast %div3A_577 : f32 to vector<512x1xf32>
    %div3A_579 = arith.divf %broadcast_in_dim3A_576, %div3A_578 : vector<512x1xf32>
    %sub3A_580 = vector.broadcast %div3A_570 : vector<512x1xf32> to vector<512x16xf32>
    %sub3A_581 = arith.subf %get3A_1, %sub3A_580 : vector<512x16xf32>
    %add3A_582 = arith.constant 9.99999974E-6 : f32
    %add3A_583 = vector.broadcast %add3A_582 : f32 to vector<512x1xf32>
    %add3A_584 = arith.addf %div3A_579, %add3A_583 : vector<512x1xf32>
    %sqrt3A_585 = math.sqrt %add3A_584 : vector<512x1xf32>
    %div3A_586 = vector.broadcast %sqrt3A_585 : vector<512x1xf32> to vector<512x16xf32>
    %div3A_587 = arith.divf %sub3A_581, %div3A_586 : vector<512x16xf32>
    %mul3A_588 = vector.broadcast %get3A_561 : vector<1x16xf32> to vector<512x16xf32>
    %mul3A_589 = arith.mulf %div3A_587, %mul3A_588 : vector<512x16xf32>
    %add3A_590 = vector.broadcast %get3A_564 : vector<1x16xf32> to vector<512x16xf32>
    %add3A_591 = arith.addf %mul3A_589, %add3A_590 : vector<512x16xf32>
    %get3A_592 = arith.constant 0 : index
    %get3A_593 = arith.constant 0 : index
    %get3A_594 = vector.load %arg12[%get3A_592, %get3A_593] : memref<256x128xf32, #tpu.memory_space<vmem>>, vector<256x128xf32>
    %dot_general3A = arith.constant dense<0.000000e+00> : vector<512x128xf32>
    %dot_general3A_595 = tpu.matmul %add3A_558, %get3A_594, %dot_general3A {dimension_numbers = #tpu.dot_dimension_numbers<[1], [0], [0], [1], [0, 0, 1, 1], [], []>, transpose_lhs_hint = false} : vector<512x256xf32>, vector<256x128xf32>, vector<512x128xf32> -> vector<512x128xf32>
    %get3A_596 = arith.constant 0 : index
    %get3A_597 = arith.constant 0 : index
    %get3A_598 = vector.load %arg13[%get3A_596, %get3A_597] : memref<1x128xf32, #tpu.memory_space<vmem>>, vector<1x128xf32>
    %add3A_599 = vector.broadcast %get3A_598 : vector<1x128xf32> to vector<512x128xf32>
    %add3A_600 = arith.addf %dot_general3A_595, %add3A_599 : vector<512x128xf32>
    %get3A_601 = arith.constant 0 : index
    %get3A_602 = arith.constant 0 : index
    %get3A_603 = vector.load %arg14[%get3A_601, %get3A_602] : memref<16x128xf32, #tpu.memory_space<vmem>>, vector<16x128xf32>
    %dot_general3A_604 = arith.constant dense<0.000000e+00> : vector<512x128xf32>
    %dot_general3A_605 = tpu.matmul %add3A_591, %get3A_603, %dot_general3A_604 {dimension_numbers = #tpu.dot_dimension_numbers<[1], [0], [0], [1], [0, 0, 1, 1], [], []>, transpose_lhs_hint = false} : vector<512x16xf32>, vector<16x128xf32>, vector<512x128xf32> -> vector<512x128xf32>
    %add3A_606 = arith.addf %add3A_600, %dot_general3A_605 : vector<512x128xf32>
    %get3A_607 = arith.constant 0 : index
    %get3A_608 = arith.constant 0 : index
    %get3A_609 = vector.load %arg15[%get3A_607, %get3A_608] : memref<1x128xf32, #tpu.memory_space<vmem>>, vector<1x128xf32>
    %add3A_610 = vector.broadcast %get3A_609 : vector<1x128xf32> to vector<512x128xf32>
    %add3A_611 = arith.addf %add3A_606, %add3A_610 : vector<512x128xf32>
    %max3A = arith.constant 0.000000e+00 : f32
    %max3A_612 = vector.broadcast %max3A : f32 to vector<512x128xf32>
    %max3A_613 = arith.maximumf %add3A_611, %max3A_612 : vector<512x128xf32>
    %get3A_614 = arith.constant 0 : index
    %get3A_615 = arith.constant 0 : index
    %get3A_616 = vector.load %arg16[%get3A_614, %get3A_615] : memref<128x128xf32, #tpu.memory_space<vmem>>, vector<128x128xf32>
    %dot_general3A_617 = arith.constant dense<0.000000e+00> : vector<512x128xf32>
    %dot_general3A_618 = tpu.matmul %max3A_613, %get3A_616, %dot_general3A_617 {dimension_numbers = #tpu.dot_dimension_numbers<[1], [0], [0], [1], [0, 0, 1, 1], [], []>, transpose_lhs_hint = false} : vector<512x128xf32>, vector<128x128xf32>, vector<512x128xf32> -> vector<512x128xf32>
    %get3A_619 = arith.constant 0 : index
    %get3A_620 = arith.constant 0 : index
    %get3A_621 = vector.load %arg17[%get3A_619, %get3A_620] : memref<1x128xf32, #tpu.memory_space<vmem>>, vector<1x128xf32>
    %add3A_622 = vector.broadcast %get3A_621 : vector<1x128xf32> to vector<512x128xf32>
    %add3A_623 = arith.addf %dot_general3A_618, %add3A_622 : vector<512x128xf32>
    %max3A_624 = arith.constant 0.000000e+00 : f32
    %max3A_625 = vector.broadcast %max3A_624 : f32 to vector<512x128xf32>
    %max3A_626 = arith.maximumf %add3A_623, %max3A_625 : vector<512x128xf32>
    %get3A_627 = arith.constant 0 : index
    %get3A_628 = arith.constant 0 : index
    %get3A_629 = vector.load %arg18[%get3A_627, %get3A_628] : memref<128x128xf32, #tpu.memory_space<vmem>>, vector<128x128xf32>
    %dot_general3A_630 = arith.constant dense<0.000000e+00> : vector<512x128xf32>
    %dot_general3A_631 = tpu.matmul %max3A_626, %get3A_629, %dot_general3A_630 {dimension_numbers = #tpu.dot_dimension_numbers<[1], [0], [0], [1], [0, 0, 1, 1], [], []>, transpose_lhs_hint = false} : vector<512x128xf32>, vector<128x128xf32>, vector<512x128xf32> -> vector<512x128xf32>
    %add3A_632 = arith.addf %add3A_611, %dot_general3A_631 : vector<512x128xf32>
    %get3A_633 = arith.constant 0 : index
    %get3A_634 = arith.constant 0 : index
    %get3A_635 = vector.load %arg19[%get3A_633, %get3A_634] : memref<1x128xf32, #tpu.memory_space<vmem>>, vector<1x128xf32>
    %add3A_636 = vector.broadcast %get3A_635 : vector<1x128xf32> to vector<512x128xf32>
    %add3A_637 = arith.addf %add3A_632, %add3A_636 : vector<512x128xf32>
    %max3A_638 = arith.constant 0.000000e+00 : f32
    %max3A_639 = vector.broadcast %max3A_638 : f32 to vector<512x128xf32>
    %max3A_640 = arith.maximumf %add3A_637, %max3A_639 : vector<512x128xf32>
    %get3A_641 = arith.constant 0 : index
    %get3A_642 = arith.constant 0 : index
    %get3A_643 = vector.load %arg20[%get3A_641, %get3A_642] : memref<128x128xf32, #tpu.memory_space<vmem>>, vector<128x128xf32>
    %dot_general3A_644 = arith.constant dense<0.000000e+00> : vector<512x128xf32>
    %dot_general3A_645 = tpu.matmul %max3A_640, %get3A_643, %dot_general3A_644 {dimension_numbers = #tpu.dot_dimension_numbers<[1], [0], [0], [1], [0, 0, 1, 1], [], []>, transpose_lhs_hint = false} : vector<512x128xf32>, vector<128x128xf32>, vector<512x128xf32> -> vector<512x128xf32>
    %get3A_646 = arith.constant 0 : index
    %get3A_647 = arith.constant 0 : index
    %get3A_648 = vector.load %arg21[%get3A_646, %get3A_647] : memref<1x128xf32, #tpu.memory_space<vmem>>, vector<1x128xf32>
    %add3A_649 = vector.broadcast %get3A_648 : vector<1x128xf32> to vector<512x128xf32>
    %add3A_650 = arith.addf %dot_general3A_645, %add3A_649 : vector<512x128xf32>
    %max3A_651 = arith.constant 0.000000e+00 : f32
    %max3A_652 = vector.broadcast %max3A_651 : f32 to vector<512x128xf32>
    %max3A_653 = arith.maximumf %add3A_650, %max3A_652 : vector<512x128xf32>
    %get3A_654 = arith.constant 0 : index
    %get3A_655 = arith.constant 0 : index
    %get3A_656 = vector.load %arg22[%get3A_654, %get3A_655] : memref<128x128xf32, #tpu.memory_space<vmem>>, vector<128x128xf32>
    %dot_general3A_657 = arith.constant dense<0.000000e+00> : vector<512x128xf32>
    %dot_general3A_658 = tpu.matmul %max3A_653, %get3A_656, %dot_general3A_657 {dimension_numbers = #tpu.dot_dimension_numbers<[1], [0], [0], [1], [0, 0, 1, 1], [], []>, transpose_lhs_hint = false} : vector<512x128xf32>, vector<128x128xf32>, vector<512x128xf32> -> vector<512x128xf32>
    %add3A_659 = arith.addf %add3A_637, %dot_general3A_658 : vector<512x128xf32>
    %get3A_660 = arith.constant 0 : index
    %get3A_661 = arith.constant 0 : index
    %get3A_662 = vector.load %arg23[%get3A_660, %get3A_661] : memref<1x128xf32, #tpu.memory_space<vmem>>, vector<1x128xf32>
    %add3A_663 = vector.broadcast %get3A_662 : vector<1x128xf32> to vector<512x128xf32>
    %add3A_664 = arith.addf %add3A_659, %add3A_663 : vector<512x128xf32>
    %max3A_665 = arith.constant 0.000000e+00 : f32
    %max3A_666 = vector.broadcast %max3A_665 : f32 to vector<512x128xf32>
    %max3A_667 = arith.maximumf %add3A_664, %max3A_666 : vector<512x128xf32>
    %get3A_668 = arith.constant 0 : index
    %get3A_669 = arith.constant 0 : index
    %get3A_670 = vector.load %arg24[%get3A_668, %get3A_669] : memref<128x20xf32, #tpu.memory_space<vmem>>, vector<128x20xf32>
    %dot_general3A_671 = arith.constant dense<0.000000e+00> : vector<512x20xf32>
    %dot_general3A_672 = tpu.matmul %max3A_667, %get3A_670, %dot_general3A_671 {dimension_numbers = #tpu.dot_dimension_numbers<[1], [0], [0], [1], [0, 0, 1, 1], [], []>, transpose_lhs_hint = false} : vector<512x128xf32>, vector<128x20xf32>, vector<512x20xf32> -> vector<512x20xf32>
    %get3A_673 = arith.constant 0 : index
    %get3A_674 = arith.constant 0 : index
    %get3A_675 = vector.load %arg25[%get3A_673, %get3A_674] : memref<1x20xf32, #tpu.memory_space<vmem>>, vector<1x20xf32>
    %add3A_676 = vector.broadcast %get3A_675 : vector<1x20xf32> to vector<512x20xf32>
    %add3A_677 = arith.addf %dot_general3A_672, %add3A_676 : vector<512x20xf32>
    %swap3A_678 = arith.constant 0 : index
    %swap3A_679 = arith.constant 0 : index
    %swap3A_680 = vector.load %arg29[%swap3A_678, %swap3A_679] : memref<512x20xf32, #tpu.memory_space<vmem>>, vector<512x20xf32>
    tpu.vector_store %arg29[%swap3A_678, %swap3A_679], %add3A_677 {strides = array<i32>} : memref<512x20xf32, #tpu.memory_space<vmem>>, vector<512x20xf32>,
    return
  }
}

</mosaic_0001>

<sc_bundles>
// kernel: kernel.6.cloned.1.call-start
scs
__scs_entry_jumppad:
0x0: {  	(pc) =	sbr.rel $0x88, $3  }
0x1: {  	(tag) =	ssettag $0x0;
	lr =	simm.s32 $0x1  }
0x2: {  	[smem:$0x3F70] =	sst lr;
	_ =	strace $0xD0000000  }
0x3: {  	_ = 	snop  }
0x4: {  	_ = 	snop  }
0x5: {  	_ = 	snop  }
0x6: {  	_ = 	snop  }
0x7: {  	_ = 	snop  }
__scs_overlays_trampoline_lowered:
0x8: {  	[smem:$0x3F7F] =	sst s0  }
0x9: {  	[smem:$0x3F80] =	sst s1  }
0xa: {  	[smem:$0x3F81] =	sst s2  }
0xb: {  	[smem:$0x3F82] =	sst s3  }
0xc: {  	[smem:$0x3F83] =	sst s4  }
0xd: {  	[smem:$0x3F84] =	sst s5  }
0xe: {  	[smem:$0x3F85] =	sst s6  }
0xf: {  	[smem:$0x3F86] =	sst s7  }
0x10: {  	[smem:$0x3F87] =	sst s8  }
0x11: {  	[smem:$0x3F88] =	sst s9;
	s0 =	simm.s32 @!p0 $0x0  }
0x12: {  	s1 =	sld [smem:$0x3F6E];
	s0 =	simm.s32 @p0 $0x1  }
0x13: {  	[smem:$0x3F89] =	sst s0;
	s0 =	simm.s32 @!p1 $0x0  }
0x14: {  	s2 =	sld [smem:$0x3F6D];
	s0 =	simm.s32 @p1 $0x1  }
0x15: {  	[smem:$0x3F8A] =	sst s0;
	s0 =	simm.s32 @!p2 $0x0  }
0x16: {  	s3 =	sld [smem:$0x3FDB];
	s0 =	simm.s32 @p2 $0x1  }
0x17: {  	s4 =	simm.s32 $0x1BF5;
	[smem:$0x3F8C] =	sst s0  }
0x18: {  	s0 =	sld [smem:$0x3F6F];
	_ =	swait.ge [sflag:s4], $0x0  }
0x19: {  	s7 =	sld [smem:$0x3F70]  }
0x1a: {  	s8 =	sadd.s32 $0xFFFFE003, lr  }
0x1b: {  	s9 =	sadd.s32 $0xFFFFFEF7, lr;
	s5 =	simm.s32 $0xFFFFFFFF;
	p2 =	slt.u32 s8, $0xFFFFF086  }
0x1c: {  	p1 =	slt.u32 s9, $0xF7A;
	s5 =	simm.s32 @!p2 $0x0  }
0x1d: {  	s5 =	simm.s32 @p1 $0x1;
	p0 =	seq.s32 s7, s2  }
0x1e: {  	s7 =	smul.u32 @!p0 $0xF7A, s2;
	p2 =	seq.s32 @!p0 s5, $0x0  }
0x1f: {  	s9 =	smul.u32 $0xF7A, s1;
	s8 =	simm.s32 @!p0 $0x1BF5;
	p2 =	por !p2, p0  }
0x20: {  	[sflag:s8] =	ssyncset.s32 @!p0 $0xFFFFF086;
	s6 =	sadd.s32 @!p0 s3, s7;
	s7 =	simm.s32 @!p0 $0x108  }
0x21: {  	s3 =	sadd.s32 s3, s9;
	s6 =	sadd.s32 @!p0 $0x88, s6;
	s7 =	simm.s32 @p2 $0x1082  }
0x22: {  	[simem:s7], [sflag:s8] =	dma.local @!p0 [hbm:s6], $0xF7A  }
0x23: {  	s9 =	sor.u32 $0xD0000000, s2;
	s6 =	simm.s32 $0x108;
	_ =	swait.ge @!p0 [sflag:s8], $0x0  }
0x24: {  	s3 =	sadd.s32 $0x88, s3;
	s6 =	simm.s32 @!p1 $0x1082;
	[sflag:s4] =	ssyncset.s32 $0xFFFFF086  }
0x25: {  	[simem:s6], [sflag:s4] =	dma.local [hbm:s3], $0xF7A  }
0x26: {  	[smem:$0x3F70] =	sst s1;
	(tag) =	ssettag s2;
	_ =	strace s9  }
0x27: {  	s1 =	sld [smem:$0x3F80]  }
0x28: {  	s2 =	sld [smem:$0x3F81]  }
0x29: {  	s4 =	sld [smem:$0x3F83]  }
0x2a: {  	p0 =	seq.s32 s5, $0x0;
	s5 =	sld [smem:$0x3F84]  }
0x2b: {  	s6 =	sld [smem:$0x3F85]  }
0x2c: {  	s7 =	sld [smem:$0x3F86]  }
0x2d: {  	s3 =	simm.s32 $0x108;
	s8 =	sld [smem:$0x3F87]  }
0x2e: {  	s3 =	simm.s32 @!p0 $0x1082;
	s9 =	sld [smem:$0x3F88]  }
0x2f: {  	lr =	sadd.s32 s0, s3;
	s0 =	sld [smem:$0x3F7F]  }
0x30: {  	s3 =	sld [smem:$0x3F82]  }
0x31: {  	[smem:$0x3F8B] =	sst s10  }
0x32: {  	s10 =	sld [smem:$0x3F89];
	_ =	sdelay $0x3  }
0x33: {  	p0 =	seq.s32 s10, $0x1;
	s10 =	sld [smem:$0x3F8B];
	_ =	sdelay $0x3  }
0x34: {  	[smem:$0x3F8B] =	sst s10  }
0x35: {  	s10 =	sld [smem:$0x3F8A];
	_ =	sdelay $0x3  }
0x36: {  	p1 =	seq.s32 s10, $0x1;
	s10 =	sld [smem:$0x3F8B];
	_ =	sdelay $0x3  }
0x37: {  	[smem:$0x3F8B] =	sst s10  }
0x38: {  	s10 =	sld [smem:$0x3F8C]  }
0x39: {  	_ = 	snop;
	(pc) =	sbr.ind lr, $3  }
0x3a: {  	_ = 	snop  }
0x3b: {  	_ = 	snop  }
0x3c: {  	p2 =	seq.s32 s10, $0x1;
	s10 =	sld [smem:$0x3F8B]  }
0x3d: {  	_ =	shalt  }
0x3e: {  	_ =	shalt  }
0x3f: {  	_ =	shalt  }
0x40: {  	_ =	shalt  }
0x41: {  	_ =	shalt  }
0x42: {  	_ =	shalt  }
0x43: {  	_ =	shalt  }
0x44: {  	_ =	shalt  }
0x45: {  	_ =	shalt  }
0x46: {  	_ =	shalt  }
0x47: {  	_ =	shalt  }
0x48: {  	_ =	shalt  }
0x49: {  	_ =	shalt  }
0x4a: {  	_ =	shalt  }
0x4b: {  	_ =	shalt  }
0x4c: {  	_ =	shalt  }
0x4d: {  	_ =	shalt  }
0x4e: {  	_ =	shalt  }
0x4f: {  	_ =	shalt  }
0x50: {  	_ =	shalt  }
0x51: {  	_ =	shalt  }
0x52: {  	_ =	shalt  }
0x53: {  	_ =	shalt  }
0x54: {  	_ =	shalt  }
0x55: {  	_ =	shalt  }
0x56: {  	_ =	shalt  }
0x57: {  	_ =	shalt  }
0x58: {  	_ =	shalt  }
0x59: {  	_ =	shalt  }
0x5a: {  	_ =	shalt  }
0x5b: {  	_ =	shalt  }
0x5c: {  	_ =	shalt  }
0x5d: {  	_ =	shalt  }
0x5e: {  	_ =	shalt  }
0x5f: {  	_ =	shalt  }
0x60: {  	_ =	shalt  }
0x61: {  	_ =	shalt  }
0x62: {  	_ =	shalt  }
0x63: {  	_ =	shalt  }
0x64: {  	_ =	shalt  }
0x65: {  	_ =	shalt  }
0x66: {  	_ =	shalt  }
0x67: {  	_ =	shalt  }
0x68: {  	_ =	shalt  }
0x69: {  	_ =	shalt  }
0x6a: {  	_ =	shalt  }
0x6b: {  	_ =	shalt  }
0x6c: {  	_ =	shalt  }
0x6d: {  	_ =	shalt  }
0x6e: {  	_ =	shalt  }
0x6f: {  	_ =	shalt  }
0x70: {  	_ =	shalt  }
0x71: {  	_ =	shalt  }
0x72: {  	_ =	shalt  }
0x73: {  	_ =	shalt  }
0x74: {  	_ =	shalt  }
0x75: {  	_ =	shalt  }
0x76: {  	_ =	shalt  }
0x77: {  	_ =	shalt  }
0x78: {  	_ =	shalt  }
0x79: {  	_ =	shalt  }
0x7a: {  	_ =	shalt  }
0x7b: {  	_ =	shalt  }
0x7c: {  	_ =	shalt  }
0x7d: {  	_ =	shalt  }
0x7e: {  	_ =	shalt  }
0x7f: {  	_ =	shalt  }
0x80: {  	_ =	shalt  }
0x81: {  	_ =	shalt  }
0x82: {  	_ =	shalt  }
0x83: {  	_ =	shalt  }
0x84: {  	_ =	shalt  }
0x85: {  	_ =	shalt  }
0x86: {  	_ =	shalt  }
0x87: {  	_ =	shalt  }
.Lfunc_end0:
.L_simem_size_0:
called_computation_lowered:
.L_overlay_start_0:
0x88: {  	s2 =	sld [smem:$0x3FD9]  }
0x89: {  	s3 =	sld [smem:$0x3FFE];
	_ =	sdelay $0x1  }
0x8a: {  	s1 =	srdreg.scid  }
0x8b: {  	s0 =	sand.u32 $0x1, s1  }
0x8c: {  	s17 =	sshll.u32 s0, $0xA;
	s2 =	sadd.s32 s3, s2  }
0x8d: {  	s2 =	sadd.s32 s2, s17  }
0x8e: {  	[smem:$0x3F97] =	sst s2  }
0x8f: {  	_ = 	snop  }
0x90: {  	s2 =	sld [smem:$0x3FC8];
	(tm) =	ssettm $0x1  }
0x91: {  	s18 =	sld [smem:$0x3FFB];
	_ =	sdelay $0x3  }
0x92: {  	_ =	strace s18  }
0x93: {  	s3 =	sld [smem:$0x3FFC];
	_ =	sdelay $0x3  }
0x94: {  	_ =	strace s3  }
0x95: {  	s3 =	sld [smem:$0x3FFD];
	_ =	sdelay $0x3  }
0x96: {  	_ =	strace s3  }
0x97: {  	_ =	strace $0x8FFFFFFF  }
0x98: {  	s19 =	sld [smem:$0x3FDB];
	_ =	sdelay $0x1  }
0x99: {  	s4 =	simm.s32 $_scs_section_size  }
0x9a: {  	s5 =	simm.s32 $_size__tile_overlayer_lowered;
	s6 =	simm.s32 $_tile_overlayer_lowered  }
0x9b: {  	s22 =	simm.s32 $0x1BFF;
	s21 =	sshll.u32 s6, $0x1;
	s3 =	sadd.s32 s4, s19  }
0x9c: {  	s7 =	simm.s32 $0x0;
	s20 =	sshll.u32 s5, $0x1;
	s5 =	sadd.s32 s21, s3  }
0x9d: {  	[timem:s7], [sflag:s22] =	dma.local [hbm:s5], s20  }
0x9e: {  	_ =	swait.ge [sflag:s22], s20  }
0x9f: {  	s4 =	ssub.s32 $0x0, s20;
	[sflag:s22] =	ssyncset.done $0x0  }
0xa0: {  	[sflag:s22] =	ssyncadd.s32 s4;
	_ =	sdelay $0x1  }
0xa1: {  	s23 =	simm.s32 $0x1B8B  }
0xa2: {  	_ =	swait.ge [sflag:s23], $0x1  }
0xa3: {  	[sflag:s23] =	ssyncset.done $0x0  }
0xa4: {  	s25 =	simm.s32 $0x1B8E;
	s24 =	sld [smem:$0x3FFE];
	[sflag:s23] =	ssyncadd.s32 $0xFFFFFFFF  }
0xa5: {  	s26 =	simm.s32 $execute0_lowered;
	[smem:$0x3FD2] =	sst s25  }
0xa6: {  	s5 =	sshll.u32 s26, $0x1;
	_ =	strace $0x80000046;
	[dreg:$0x1] =	wrdreg $0xFFFFFFFF  }
0xa7: {  	s28 =	simm.s32 $_size_execute0_lowered;
	s3 =	sadd.s32 s3, s5;
	[dreg:$0x0] =	wrdreg $0x0  }
0xa8: {  	s5 =	sshll.u32 s28, $0x1;
	[dreg:$0x2] =	wrdreg s3  }
0xa9: {  	[dreg:$0x3] =	wrdreg s5  }
0xaa: {  	[dreg:$0x4] =	wrdreg $0xC0  }
0xab: {  	_ =	task [dreg:s7], $0x5FFFF  }
0xac: {  	[dreg:$0x1] =	wrdreg $0xFFFFFFFF  }
0xad: {  	[dreg:$0x0] =	wrdreg $0x60  }
0xae: {  	[dreg:$0x2] =	wrdreg s2  }
0xaf: {  	[dreg:$0x3] =	wrdreg s24  }
0xb0: {  	[dreg:$0x4] =	wrdreg $0x9  }
0xb1: {  	_ =	task.clear_ibuf [dreg:s7], $0x5FFFF;
	_ =	strace $0x90000046  }
0xb2: {  	s29 =	simm.s32 $0x9;
	_ =	strace $0x80000048  }
0xb3: {  	_ =	swait.ge [sflag:s29], $0x1  }
0xb4: {  	[sflag:s29] =	ssyncadd.s32 $0xFFFFFFFF  }
0xb5: {  	_ =	strace $0x90000048  }
0xb6: {  	_ =	sfence  }
0xb7: {  	s30 =	sld [smem:$0x0];
	_ =	sdelay $0x2  }
0xb8: {  	s31 =	sshll.u32 s1, $0xD;
	s1 =	sshrl.u32 s1, $0x2  }
0xb9: {  	s3 =	sand.u32 $0x4000, s31;
	s1 =	sadd.s32 s1, s30  }
0xba: {  	s0 =	sor.u32 s3, s0;
	s1 =	sshll.u32 s1, $0x11  }
0xbb: {  	s0 =	sor.u32 s1, s0  }
0xbc: {  	s0 =	sadd.s32 $0x8F2B, s0  }
0xbd: {  	[sflag:s0] =	ssyncadd.remote.s32 $0x1  }
0xbe: {  	_ =	sfence.sel $0xFFFF  }
0xbf: {  	[dreg:$0x0] =	wrdreg $0xFFFFFFFF;
	(pc) =	sbr.abs _section_cstart, $3  }
0xc0: {  	[dreg:$0x1] =	wrdreg $0xFFFFFFFF  }
0xc1: {  	_ =	task.clear_ibuf [dreg:s7], $0x2FFFF;
	_ =	strace $0x9FFFFFFF  }
0xc2: {  	(tm) =	ssettm $0x7FFFFFFF  }
0xc3: {  	_ =	shalt  }
tec
execute0_lowered:
.L_overlay_start_1:
0x0: {  	(tag) =	ssettag $0x1  }
0x1: {  	s1 =	srdreg.scid  }
0x2: {  	s2 =	rddreg [dreg:$0x0];
	s0 =	stileid.u32;
	s14 =	sand.u32 $0x1, s1  }
0x3: {  	s8 =	rddreg [dreg:$0x1];
	s4 =	sshll.u32 s0, $0xB;
	s5 =	sshll.u32 s14, $0xA  }
0x4: {  	s3 =	simm.s32 $0x0;
	s1 =	rddreg [dreg:$0x2];
	s13 =	sor.u32 s5, s4  }
0x5: {  	[smem:$0x7FF] =	sst s3;
	s15 =	sadd.s32 $0x5600, s8;
	s4 =	sshrl.u32 s13, $0x3  }
0x6: {  	_ =	strace $0x80000047;
	s5 =	sadd.s32 s15, s4;
	s4 =	simm.s32 $0x2  }
0x7: {  	[tilespmem:s3], [sflag:$0x2] =	stream.linear.gather [hbm4b:s5+s3], $0x100, $0x38;
	[tilespmem:$0x8100] =	vst v63  }
0x8: {  	_ =	swait.ge [sflag:s4], $0x100  }
0x9: {  	[sflag:s4] =	ssyncset.done $0x0  }
0xa: {  	s6 =	simm.s32 $0x100;
	s7 =	simm.s32 $0x1;
	[sflag:s4] =	ssyncadd.s32 $0xFFFFFF00  }
0xb: {  	[tilespmem:s6], [sflag:$0x1] =	stream.indirect.gather [hbm4b:s2+s6], $0x80, s3, s6, $0xb8;
	[tilespmem:$0x8100] =	vst v63  }
0xc: {  	_ =	swait.ge [sflag:s7], $0x8000  }
0xd: {  	s16 =	sadd.s32 $0x6600, s8;
	s29 =	sshll.u32 s13, $0x4;
	[sflag:s7] =	ssyncset.done $0x0  }
0xe: {  	s8 =	sadd.s32 s16, s29;
	[sflag:s7] =	ssyncadd.s32 $0xFFFF8000  }
0xf: {  	[hbm4b:s8+s3] =	stream.linear.scatter [tilespmem:s6], [sflag:$0x2], $0x8000, $0x38;
	[tilespmem:$0x8100] =	vst v63  }
0x10: {  	s10 =	sor.u32 $0x100, s13;
	_ =	swait.ge [sflag:s4], $0x8000  }
0x11: {  	s9 =	sshrl.u32 s10, $0x3;
	[sflag:s4] =	ssyncset.done $0x0  }
0x12: {  	s9 =	sadd.s32 s15, s9;
	[sflag:s4] =	ssyncadd.s32 $0xFFFF8000  }
0x13: {  	[tilespmem:s3], [sflag:$0x2] =	stream.linear.gather [hbm4b:s9+s3], $0x100, $0x38;
	[tilespmem:$0x8100] =	vst v63  }
0x14: {  	_ =	swait.ge [sflag:s4], $0x100  }
0x15: {  	[sflag:s4] =	ssyncset.done $0x0  }
0x16: {  	[sflag:s4] =	ssyncadd.s32 $0xFFFFFF00  }
0x17: {  	[tilespmem:s6], [sflag:$0x1] =	stream.indirect.gather [hbm4b:s2+s6], $0x80, s3, s6, $0xb8;
	[tilespmem:$0x8100] =	vst v63  }
0x18: {  	_ =	swait.ge [sflag:s7], $0x8000  }
0x19: {  	s10 =	sshll.u32 s10, $0x4;
	[sflag:s7] =	ssyncset.done $0x0  }
0x1a: {  	s10 =	sadd.s32 s16, s10;
	[sflag:s7] =	ssyncadd.s32 $0xFFFF8000  }
0x1b: {  	[hbm4b:s10+s3] =	stream.linear.scatter [tilespmem:s6], [sflag:$0x2], $0x8000, $0x38;
	[tilespmem:$0x8100] =	vst v63  }
0x1c: {  	s12 =	sor.u32 $0x200, s13;
	_ =	swait.ge [sflag:s4], $0x8000  }
0x1d: {  	s11 =	sshrl.u32 s12, $0x3;
	[sflag:s4] =	ssyncset.done $0x0  }
0x1e: {  	s11 =	sadd.s32 s15, s11;
	[sflag:s4] =	ssyncadd.s32 $0xFFFF8000  }
0x1f: {  	[tilespmem:s3], [sflag:$0x2] =	stream.linear.gather [hbm4b:s11+s3], $0x100, $0x38;
	[tilespmem:$0x8100] =	vst v63  }
0x20: {  	_ =	swait.ge [sflag:s4], $0x100  }
0x21: {  	[sflag:s4] =	ssyncset.done $0x0  }
0x22: {  	[sflag:s4] =	ssyncadd.s32 $0xFFFFFF00  }
0x23: {  	[tilespmem:s6], [sflag:$0x1] =	stream.indirect.gather [hbm4b:s2+s6], $0x80, s3, s6, $0xb8;
	[tilespmem:$0x8100] =	vst v63  }
0x24: {  	_ =	swait.ge [sflag:s7], $0x8000  }
0x25: {  	s12 =	sshll.u32 s12, $0x4;
	[sflag:s7] =	ssyncset.done $0x0  }
0x26: {  	s12 =	sadd.s32 s16, s12;
	[sflag:s7] =	ssyncadd.s32 $0xFFFF8000  }
0x27: {  	[hbm4b:s12+s3] =	stream.linear.scatter [tilespmem:s6], [sflag:$0x2], $0x8000, $0x38;
	[tilespmem:$0x8100] =	vst v63  }
0x28: {  	s17 =	sor.u32 $0x300, s13;
	_ =	swait.ge [sflag:s4], $0x8000  }
0x29: {  	s13 =	sshrl.u32 s17, $0x3;
	[sflag:s4] =	ssyncset.done $0x0  }
0x2a: {  	s14 =	ssub.s32 $0x2, s14;
	s13 =	sadd.s32 s15, s13;
	[sflag:s4] =	ssyncadd.s32 $0xFFFF8000  }
0x2b: {  	[tilespmem:s3], [sflag:$0x2] =	stream.linear.gather [hbm4b:s13+s3], $0x100, $0x38;
	[tilespmem:$0x8100] =	vst v63  }
0x2c: {  	s30 =	sshrl.u32 s14, $0x1;
	_ =	swait.ge [sflag:s4], $0x100  }
0x2d: {  	s15 =	ssub.s32 s14, s30;
	[sflag:s4] =	ssyncset.done $0x0  }
0x2e: {  	s15 =	smax.u32 s15, $0x1;
	[sflag:s4] =	ssyncadd.s32 $0xFFFFFF00  }
0x2f: {  	[tilespmem:s6], [sflag:$0x1] =	stream.indirect.gather [hbm4b:s2+s6], $0x80, s3, s6, $0xb8;
	[tilespmem:$0x8100] =	vst v63  }
0x30: {  	p0 =	sne.s32 s15, $0x1;
	_ =	swait.ge [sflag:s7], $0x8000  }
.Ltmp0:
0x31: {  	s31 =	sshll.u32 s17, $0x4;
	[sflag:s7] =	ssyncset.done $0x0;
	(pc) =	sbr.rel @!p0 .LBB2_2-.Ltmp0, $4  }
0x32: {  	s14 =	sadd.s32 s16, s31;
	[sflag:s7] =	ssyncadd.s32 $0xFFFF8000  }
0x33: {  	[hbm4b:s14+s3] =	stream.linear.scatter [tilespmem:s6], [sflag:$0x2], $0x8000, $0x38;
	[tilespmem:$0x8100] =	vst v63  }
0x34: {  	_ =	swait.ge [sflag:s4], $0x8000  }
0x35: {  	s15 =	sadd.s32 $0xFFFFFFFF, s15;
	[sflag:s4] =	ssyncset.done $0x0  }
.LBB2_1:
0x36: {  	p0 =	sne.s32 s15, $0x1;
	s15 =	sadd.s32 $0xFFFFFFFF, s15;
	[sflag:s4] =	ssyncadd.s32 $0xFFFF8000  }
0x37: {  	[tilespmem:s3], [sflag:$0x2] =	stream.linear.gather [hbm4b:s5+s3], $0x100, $0x38;
	[tilespmem:$0x8100] =	vst v63  }
0x38: {  	_ =	swait.ge [sflag:s4], $0x100  }
0x39: {  	[sflag:s4] =	ssyncset.done $0x0  }
0x3a: {  	[sflag:s4] =	ssyncadd.s32 $0xFFFFFF00  }
0x3b: {  	[tilespmem:s6], [sflag:$0x1] =	stream.indirect.gather [hbm4b:s2+s6], $0x80, s3, s6, $0xb8;
	[tilespmem:$0x8100] =	vst v63  }
0x3c: {  	_ =	swait.ge [sflag:s7], $0x8000  }
0x3d: {  	[sflag:s7] =	ssyncset.done $0x0  }
0x3e: {  	[sflag:s7] =	ssyncadd.s32 $0xFFFF8000  }
0x3f: {  	[hbm4b:s8+s3] =	stream.linear.scatter [tilespmem:s6], [sflag:$0x2], $0x8000, $0x38;
	[tilespmem:$0x8100] =	vst v63  }
0x40: {  	_ =	swait.ge [sflag:s4], $0x8000  }
0x41: {  	[sflag:s4] =	ssyncset.done $0x0  }
0x42: {  	[sflag:s4] =	ssyncadd.s32 $0xFFFF8000  }
0x43: {  	[tilespmem:s3], [sflag:$0x2] =	stream.linear.gather [hbm4b:s9+s3], $0x100, $0x38;
	[tilespmem:$0x8100] =	vst v63  }
0x44: {  	_ =	swait.ge [sflag:s4], $0x100  }
0x45: {  	[sflag:s4] =	ssyncset.done $0x0  }
0x46: {  	[sflag:s4] =	ssyncadd.s32 $0xFFFFFF00  }
0x47: {  	[tilespmem:s6], [sflag:$0x1] =	stream.indirect.gather [hbm4b:s2+s6], $0x80, s3, s6, $0xb8;
	[tilespmem:$0x8100] =	vst v63  }
0x48: {  	_ =	swait.ge [sflag:s7], $0x8000  }
0x49: {  	[sflag:s7] =	ssyncset.done $0x0  }
0x4a: {  	[sflag:s7] =	ssyncadd.s32 $0xFFFF8000  }
0x4b: {  	[hbm4b:s10+s3] =	stream.linear.scatter [tilespmem:s6], [sflag:$0x2], $0x8000, $0x38;
	[tilespmem:$0x8100] =	vst v63  }
0x4c: {  	_ =	swait.ge [sflag:s4], $0x8000  }
0x4d: {  	[sflag:s4] =	ssyncset.done $0x0  }
0x4e: {  	[sflag:s4] =	ssyncadd.s32 $0xFFFF8000  }
0x4f: {  	[tilespmem:s3], [sflag:$0x2] =	stream.linear.gather [hbm4b:s11+s3], $0x100, $0x38;
	[tilespmem:$0x8100] =	vst v63  }
0x50: {  	_ =	swait.ge [sflag:s4], $0x100  }
0x51: {  	[sflag:s4] =	ssyncset.done $0x0  }
0x52: {  	[sflag:s4] =	ssyncadd.s32 $0xFFFFFF00  }
0x53: {  	[tilespmem:s6], [sflag:$0x1] =	stream.indirect.gather [hbm4b:s2+s6], $0x80, s3, s6, $0xb8;
	[tilespmem:$0x8100] =	vst v63  }
0x54: {  	_ =	swait.ge [sflag:s7], $0x8000  }
0x55: {  	[sflag:s7] =	ssyncset.done $0x0  }
0x56: {  	[sflag:s7] =	ssyncadd.s32 $0xFFFF8000  }
0x57: {  	[hbm4b:s12+s3] =	stream.linear.scatter [tilespmem:s6], [sflag:$0x2], $0x8000, $0x38;
	[tilespmem:$0x8100] =	vst v63  }
0x58: {  	_ =	swait.ge [sflag:s4], $0x8000  }
0x59: {  	[sflag:s4] =	ssyncset.done $0x0  }
0x5a: {  	[sflag:s4] =	ssyncadd.s32 $0xFFFF8000  }
0x5b: {  	[tilespmem:s3], [sflag:$0x2] =	stream.linear.gather [hbm4b:s13+s3], $0x100, $0x38;
	[tilespmem:$0x8100] =	vst v63  }
0x5c: {  	_ =	swait.ge [sflag:s4], $0x100  }
0x5d: {  	[sflag:s4] =	ssyncset.done $0x0  }
0x5e: {  	[sflag:s4] =	ssyncadd.s32 $0xFFFFFF00  }
0x5f: {  	[tilespmem:s6], [sflag:$0x1] =	stream.indirect.gather [hbm4b:s2+s6], $0x80, s3, s6, $0xb8;
	[tilespmem:$0x8100] =	vst v63  }
0x60: {  	_ =	swait.ge [sflag:s7], $0x8000  }
.Ltmp1:
0x61: {  	[sflag:s7] =	ssyncset.done $0x0;
	(pc) =	sbr.rel @p0 .LBB2_1-.Ltmp1, $4  }
0x62: {  	[sflag:s7] =	ssyncadd.s32 $0xFFFF8000  }
0x63: {  	[hbm4b:s14+s3] =	stream.linear.scatter [tilespmem:s6], [sflag:$0x2], $0x8000, $0x38;
	[tilespmem:$0x8100] =	vst v63  }
0x64: {  	_ =	swait.ge [sflag:s4], $0x8000  }
0x65: {  	[sflag:s4] =	ssyncset.done $0x0  }
.LBB2_2:
0x66: {  	[sflag:s4] =	ssyncadd.s32 $0xFFFF8000  }
0x67: {  	_ =	sfence.sel $0x180000  }
0x68: {  	[bflag:$0x0] =	sbarrier.arrive $0xFFFF  }
0x69: {  	p0 =	sne.s32 s0, $0x0;
	_ =	strace $0x90000047  }
0x6a: {  	s0 =	sadd.s32 @!p0 $0x100000, s1;
	[bflag:$0x2] =	sbarrier.arrive $0xFFFF  }
0x6b: {  	[sflag:s0] =	ssyncadd.tile.s32 @!p0 $0x1;
	_ =	shalt  }
.Lfunc_end2:
_tile_overlayer_lowered:
.L_overlay_start_2:
0x6c: {  	(tag) =	ssettag $0x2  }
0x6d: {  	s0 =	rddreg [dreg:$0x0];
	s2 =	stileid.u32  }
0x6e: {  	s1 =	rddreg [dreg:$0x1];
	p0 =	sne.s32 s2, $0x0  }
0x6f: {  	s3 =	rddreg [dreg:$0x2];
	[bflag:$0x3] =	sbarrier.arrive $0xFFFF;
	s2 =	simm.s32 @!p0 $0x1C02  }
0x70: {  	[timem:s3], [sflag:s2] =	dma.local @!p0 [hbm:s0], s1  }
0x71: {  	s0 =	simm.s32 @!p0 $0x2  }
0x72: {  	_ =	swait.ge @!p0 [sflag:s0], s1  }
0x73: {  	s1 =	ssub.s32 @!p0 $0x0, s1;
	[sflag:s0] =	ssyncset.done @!p0 $0x0  }
0x74: {  	[sflag:s0] =	ssyncadd.s32 @!p0 s1  }
0x75: {  	[bflag:$0x3] =	sbarrier.arrive $0xFFFF  }
0x76: {  	_ =	shalt  }

</sc_bundles>
